<compile_context>
chip_gen: v7x
topology: tpu7x:2x2x1
jax: 0.10.2.dev20260603
libtpu: 0.0.44.dev20260713+nightly
codegen_flags: <defaults>
</compile_context>

<pallas_src>
import functools

import jax
import jax.numpy as jnp
from jax import lax
from jax.experimental import pallas as pl
from jax.experimental.pallas import tpu as pltpu
from jax.experimental.pallas import tpu_sc as plsc

_N = 10000
_E = 320000
_NFEAT = 128
_NEMB = 126
_PER = 42
_R = 3
_DW = 48
_RN = _R * _N
_NP = 10240
_RNP = 30720
_NW = 32
_EW = _E // _NW
_CH = 80
_NCHUNK = _EW // _CH
_ZROWS = _RNP // 16
_ZCH = 120
_NZ = _ZROWS // _ZCH
_NBUF = 4
_AHEAD = 2
_ZCOPY = 384

_mesh = plsc.VectorSubcoreMesh(core_axis_name="c", subcore_axis_name="s")


@functools.partial(
    pl.kernel,
    mesh=_mesh,
    out_type=[jax.ShapeDtypeStruct((_RNP, _DW), jnp.float32),
              jax.ShapeDtypeStruct((_RNP, _DW), jnp.float32)],
    scratch_types=[
        pltpu.VMEM((_NCHUNK, _CH), jnp.int32),
        pltpu.VMEM((_NCHUNK, _CH), jnp.int32),
        pltpu.VMEM((_NBUF * _CH, _DW), jnp.float32),
        pltpu.VMEM_SHARED((_RNP, _DW), jnp.float32),
        pltpu.SemaphoreType.DMA((_NBUF,)),
        pltpu.SemaphoreType.DMA((_NBUF,)),
        pltpu.SemaphoreType.DMA,
    ],
    compiler_params=pltpu.CompilerParams(use_tc_tiling_on_sc=False),
)
def _edge_pass(table, isrc, idst, out0, out1, isrc_v, idst_v, rows_v, acc,
               gsem, ssem, osem):
    cid = lax.axis_index("c")
    sid = lax.axis_index("s")
    wid = cid * 16 + sid
    zero16 = jnp.zeros((16,), jnp.float32)

    stage0 = pltpu.async_copy(isrc.at[wid], isrc_v, osem)
    stage1 = pltpu.async_copy(idst.at[wid], idst_v, osem)

    def _buf(b):
        return rows_v.at[pl.ds(b * _CH, _CH)]

    def _gather(g, b):
        return pltpu.async_copy(table.at[isrc_v.at[g]], _buf(b), gsem.at[b])

    def _scatter_desc(g, b):
        return pltpu.make_async_copy(_buf(b), acc.at[idst_v.at[g]],
                                     ssem.at[b])

    def _zrow(r, carry):
        for cpart in range(_DW // 16):
            rows_v[r, pl.ds(cpart * 16, 16)] = zero16
        return carry

    lax.fori_loop(0, _ZCOPY, _zrow, 0)

    def _zacc(j, carry):
        pltpu.sync_copy(rows_v.at[pl.ds(0, _ZCOPY)],
                        acc.at[pl.ds(sid * _ZROWS + j * _ZCOPY, _ZCOPY)])
        return carry

    lax.fori_loop(0, _ZROWS // _ZCOPY, _zacc, 0)

    stage0.wait()
    stage1.wait()
    for b0 in range(_AHEAD):
        _gather(b0, b0)

    plsc.subcore_barrier()

    def _chunk(g, carry):
        b = lax.rem(g, _NBUF)
        pltpu.make_async_copy(table.at[isrc_v.at[g]], _buf(b),
                              gsem.at[b]).wait()
        pltpu.async_copy(_buf(b), acc.at[idst_v.at[g]], ssem.at[b],
                         add=True)

        bb = lax.rem(g + _AHEAD, _NBUF)

        @pl.when(g >= _NBUF - _AHEAD)
        def _drain():
            _scatter_desc(g - (_NBUF - _AHEAD), bb).wait()

        @pl.when(g + _AHEAD < _NCHUNK)
        def _next():
            _gather(g + _AHEAD, bb)

        return carry

    lax.fori_loop(0, _NCHUNK, _chunk, 0)

    def _drain_tail(g, carry):
        _scatter_desc(g, lax.rem(g, _NBUF)).wait()
        return carry

    lax.fori_loop(_NCHUNK - (_NBUF - _AHEAD), _NCHUNK, _drain_tail, 0)

    plsc.subcore_barrier()

    @pl.when(cid == 0)
    def _co0():
        def _copy_out(j, carry):
            start = sid * _ZROWS + j * _ZCH
            pltpu.async_copy(acc.at[pl.ds(start, _ZCH)],
                             out0.at[pl.ds(start, _ZCH)], osem)
            return carry

        lax.fori_loop(0, _NZ, _copy_out, 0)

        def _wait_out(j, carry):
            start = sid * _ZROWS + j * _ZCH
            pltpu.make_async_copy(acc.at[pl.ds(start, _ZCH)],
                                  out0.at[pl.ds(start, _ZCH)], osem).wait()
            return carry

        lax.fori_loop(0, _NZ, _wait_out, 0)

    @pl.when(cid == 1)
    def _co1():
        def _copy_out(j, carry):
            start = sid * _ZROWS + j * _ZCH
            pltpu.async_copy(acc.at[pl.ds(start, _ZCH)],
                             out1.at[pl.ds(start, _ZCH)], osem)
            return carry

        lax.fori_loop(0, _NZ, _copy_out, 0)

        def _wait_out(j, carry):
            start = sid * _ZROWS + j * _ZCH
            pltpu.make_async_copy(acc.at[pl.ds(start, _ZCH)],
                                  out1.at[pl.ds(start, _ZCH)], osem).wait()
            return carry

        lax.fori_loop(0, _NZ, _wait_out, 0)


def _idx_body(ei_ref, et_ref, isrc_ref, idst_ref):
    et = et_ref[...]
    rows = et.shape[0]
    src = ei_ref[0, :].reshape(rows, 128)
    dst = ei_ref[1, :].reshape(rows, 128)
    isrc_ref[...] = src * 3 + et
    idst_ref[...] = dst * 3 + et


def _proj_body(x_ref, w_ref, o_ref):
    o_ref[...] = jnp.dot(x_ref[...], w_ref[...],
                         preferred_element_type=jnp.float32)


def _mid_body(h0_ref, h1_ref, w_ref, o_ref):
    h = h0_ref[...] + h1_ref[...]
    h = jnp.where(h >= 0.0, h, 0.01 * h)
    o_ref[...] = jnp.dot(h, w_ref[...], preferred_element_type=jnp.float32)


def _dec_body(e0_ref, e1_ref, wd1_ref, b1_ref, wd2_ref, b2_ref, x_ref, o_ref):
    emb = e0_ref[...] + e1_ref[...]
    hid = jnp.maximum(
        jnp.dot(emb, wd1_ref[...], preferred_element_type=jnp.float32)
        + b1_ref[...], 0.0)
    xh = jnp.dot(hid, wd2_ref[...],
                 preferred_element_type=jnp.float32) + b2_ref[...]
    d = xh - x_ref[...]
    part = jnp.sum(d * d)

    @pl.when(pl.program_id(0) == 0)
    def _init():
        o_ref[...] = jnp.zeros_like(o_ref)

    o_ref[...] += jnp.full((1, 1), 1.0, jnp.float32) * part


def _rows(bm, cols):
    return pl.BlockSpec((bm, cols), lambda i: (i, 0))


def _full(r, c):
    return pl.BlockSpec((r, c), lambda i: (0, 0))


def kernel(x, W1, W2, Wd1, bd1, Wd2, bd2, edge_index, edge_type):
    f32 = jnp.float32
    W1p = jnp.pad(W1, ((0, 0), (0, 0), (0, _DW - _PER)))
    W1cat = jnp.transpose(W1p, (1, 0, 2)).reshape(_NFEAT, _R * _DW)
    W2p = jnp.pad(W2, ((0, 0), (0, _DW - _PER), (0, _DW - _PER)))
    W2bd = jax.scipy.linalg.block_diag(W2p[0], W2p[1], W2p[2])
    Wd1p = jnp.pad(Wd1.reshape(_R, _PER, _NEMB),
                   ((0, 0), (0, _DW - _PER), (0, 0))).reshape(_R * _DW, _NEMB)
    Wd1p = jnp.pad(Wd1p, ((0, 0), (0, _NFEAT - _NEMB)))
    b1p = jnp.pad(bd1, (0, _NFEAT - _NEMB)).reshape(1, _NFEAT)
    Wd2p = jnp.pad(Wd2, ((0, _NFEAT - _NEMB), (0, 0)))
    b2p = bd2.reshape(1, _NFEAT)

    rows2d = _E // 128
    et2 = edge_type.reshape(rows2d, 128)

    isrc2, idst2 = pl.pallas_call(
        _idx_body,
        grid=(1,),
        in_specs=[_full(2, _E), _full(rows2d, 128)],
        out_specs=[_full(rows2d, 128)] * 2,
        out_shape=[jax.ShapeDtypeStruct((rows2d, 128), jnp.int32)] * 2,
    )(edge_index, et2)
    isrc = isrc2.reshape(_NW, _NCHUNK, _CH)
    idst = idst2.reshape(_NW, _NCHUNK, _CH)

    xp = jnp.pad(x, ((0, _NP - _N), (0, 0)))
    bm = 1280
    P = pl.pallas_call(
        _proj_body,
        grid=(_NP // bm,),
        in_specs=[_rows(bm, _NFEAT), _full(_NFEAT, _R * _DW)],
        out_specs=_rows(bm, _R * _DW),
        out_shape=jax.ShapeDtypeStruct((_NP, _R * _DW), f32),
    )(xp, W1cat)

    H0f, H1f = _edge_pass(P.reshape(_RNP, _DW), isrc, idst)
    H0 = H0f.reshape(_NP, _R * _DW)
    H1 = H1f.reshape(_NP, _R * _DW)

    Q = pl.pallas_call(
        _mid_body,
        grid=(_NP // bm,),
        in_specs=[_rows(bm, _R * _DW), _rows(bm, _R * _DW),
                  _full(_R * _DW, _R * _DW)],
        out_specs=_rows(bm, _R * _DW),
        out_shape=jax.ShapeDtypeStruct((_NP, _R * _DW), f32),
    )(H0, H1, W2bd)

    E0f, E1f = _edge_pass(Q.reshape(_RNP, _DW), isrc, idst)
    E0 = E0f.reshape(_NP, _R * _DW)
    E1 = E1f.reshape(_NP, _R * _DW)

    bd = 2000
    ssq = pl.pallas_call(
        _dec_body,
        grid=(_N // bd,),
        in_specs=[_rows(bd, _R * _DW), _rows(bd, _R * _DW),
                  _full(_R * _DW, _NFEAT), _full(1, _NFEAT),
                  _full(_NFEAT, _NFEAT), _full(1, _NFEAT),
                  _rows(bd, _NFEAT)],
        out_specs=_full(1, 1),
        out_shape=jax.ShapeDtypeStruct((1, 1), f32),
    )(E0, E1, Wd1p, b1p, Wd2p, b2p, x)

    sem_loss = ssq[0, 0] / (_N * _NFEAT)
    zero = jnp.asarray(0.0, dtype=f32)
    return jnp.stack([sem_loss, zero, zero, zero])

# --- scband reference (transcript-rebuilt; emitter-appended) ---
"""Pipeline reference for scband-hetero-event-net-65704409694266 (READ-ONLY COPY).

The authoritative reference and input builder live on the scoring server;
editing this copy changes nothing except your own understanding.
"""

import jax, jax.numpy as jnp
import numpy as np

N = 10000
E = 320000
NFEAT = 128
NEMB = 126
PER = NEMB // 3  # 42, per-view embedding dim under pooling='cat'
R = 3  # relation/view types: event2entity, entity2entity, event2event


def setup_inputs(seed: int = 0) -> dict:
    key = jax.random.key(seed)
    ks = jax.random.split(key, 10)
    x = jax.random.normal(ks[0], (N, NFEAT), dtype=jnp.float32)
    edge_index = jax.random.randint(ks[1], (2, E), 0, N, dtype=jnp.int32)
    edge_type = jax.random.randint(ks[2], (E,), 0, R, dtype=jnp.int32)
    # HeteroRGCN per-relation weights (layer1: in->hid, layer2: hid->out), hid=out=PER
    W1 = jax.random.normal(ks[3], (R, NFEAT, PER), dtype=jnp.float32) * (1.0 / np.sqrt(NFEAT))
    W2 = jax.random.normal(ks[4], (R, PER, PER), dtype=jnp.float32) * (1.0 / np.sqrt(PER))
    # SEM reconstruction head: emb -> nhid(=nemb) -> nfeat
    Wd1 = jax.random.normal(ks[5], (NEMB, NEMB), dtype=jnp.float32) * (1.0 / np.sqrt(NEMB))
    bd1 = jnp.zeros((NEMB,), dtype=jnp.float32)
    Wd2 = jax.random.normal(ks[6], (NEMB, NFEAT), dtype=jnp.float32) * (1.0 / np.sqrt(NEMB))
    bd2 = jnp.zeros((NFEAT,), dtype=jnp.float32)
    return {"x": x, "W1": W1, "W2": W2, "Wd1": Wd1, "bd1": bd1,
            "Wd2": Wd2, "bd2": bd2, "edge_index": edge_index, "edge_type": edge_type}


def _rgcn_view(x, W1_r, W2_r, src, dst, mask):
    # layer 1: per-relation linear, gather at src, scatter-add at dst
    m1 = (x @ W1_r)[src] * mask[:, None]
    h = jnp.zeros((x.shape[0], W1_r.shape[1]), dtype=x.dtype).at[dst].add(m1)
    h = jax.nn.leaky_relu(h)
    # layer 2
    m2 = (h @ W2_r)[src] * mask[:, None]
    h2 = jnp.zeros((x.shape[0], W2_r.shape[1]), dtype=x.dtype).at[dst].add(m2)
    return h2


def reference(x, W1, W2, Wd1, bd1, Wd2, bd2, edge_index, edge_type):
    src = edge_index[0]
    dst = edge_index[1]
    outs = []
    for r in range(R):  # encode each metapath view, as in self.views
        mask = (edge_type == r).astype(x.dtype)
        outs.append(_rgcn_view(x, W1[r], W2[r], src, dst, mask))
    emb = jnp.concatenate(outs, axis=1)  # pooling == 'cat'
    # SEM loss: reconstruct node features from embedding (MSE)
    hidden = jax.nn.relu(emb @ Wd1 + bd1)
    x_hat = hidden @ Wd2 + bd2
    sem_loss = jnp.mean((x_hat - x) ** 2)
    zero = jnp.asarray(0.0, dtype=jnp.float32)
    # (sem_loss, dgi_loss, skg_loss, arc_loss); only SEM enabled (model_base='SEM')
    return jnp.stack([sem_loss, zero, zero, zero])


if False:  # reference __main__ guard neutralized (emitter)
    out = reference(**setup_inputs())
    print(out)

if __name__ == "__main__":
    import jax
    _d = setup_inputs()
    print(jax.jit(kernel)(*tuple(_d.values())))

</pallas_src>

<mosaic_0001>
#map = affine_map<(d0, d1) -> (0, 0)>
#map1 = affine_map<(d0, d1) -> (0, 0, 0)>
module attributes {stable_mosaic.version = 14 : i64} {
  func.func @_edge_pass(%arg0: i32, %arg1: i32, %arg2: memref<30720x48xf32, #tpu.memory_space<hbm>>, %arg3: memref<32x125x80xi32, #tpu.memory_space<hbm>>, %arg4: memref<32x125x80xi32, #tpu.memory_space<hbm>>, %arg5: memref<30720x48xf32, #tpu.memory_space<hbm>>, %arg6: memref<30720x48xf32, #tpu.memory_space<hbm>>, %arg7: memref<125x80xi32, #tpu.memory_space<vmem>>, %arg8: memref<125x80xi32, #tpu.memory_space<vmem>>, %arg9: memref<320x48xf32, #tpu.memory_space<vmem>>, %arg10: memref<30720x48xf32, #tpu.memory_space<vmem_shared>>, %arg11: memref<4x!tpu.dma_semaphore, #tpu.memory_space<semaphore_mem>>, %arg12: memref<4x!tpu.dma_semaphore, #tpu.memory_space<semaphore_mem>>, %arg13: memref<!tpu.dma_semaphore, #tpu.memory_space<semaphore_mem>>) attributes {dimension_semantics = [#tpu.dimension_semantics<core_parallel>, #tpu.dimension_semantics<subcore_parallel>], iteration_bounds = array<i64: 2, 16>, scalar_prefetch = 0 : i64, scratch_operands = 7 : i64, tpu.core_type = #tpu.core_type<sc_vector_subcore>, window_params = [{transform_indices = #map}, {transform_indices = #map1}, {transform_indices = #map1}, {transform_indices = #map}, {transform_indices = #map}]} {
    %mul3A = arith.constant 16 : i32
    %mul3A_0 = arith.muli %arg0, %mul3A : i32
    %add3A = arith.addi %mul3A_0, %arg1 : i32
    %broadcast_in_dim3A = arith.constant 0.000000e+00 : f32
    %broadcast_in_dim3A_1 = vector.broadcast %broadcast_in_dim3A : f32 to vector<16xf32>
    %dma_start3A = arith.constant 0 : i32
    %dma_start3A_2 = arith.constant 0 : i32
    %dma_start3A_3 = tpu.memref_slice %arg3[%add3A, %dma_start3A, %dma_start3A_2] : memref<32x125x80xi32, #tpu.memory_space<hbm>> -> memref<1x125x80xi32, #tpu.memory_space<hbm>>
    %dma_start3A_4 = tpu.memref_squeeze %dma_start3A_3 : memref<1x125x80xi32, #tpu.memory_space<hbm>> -> memref<125x80xi32, #tpu.memory_space<hbm>>
    %dma_start3A_5 = arith.constant 0 : i32
    %dma_start3A_6 = arith.constant 0 : i32
    %dma_start3A_7 = tpu.memref_slice %arg3[%add3A, %dma_start3A_5, %dma_start3A_6] : memref<32x125x80xi32, #tpu.memory_space<hbm>> -> memref<1x125x80xi32, #tpu.memory_space<hbm>>
    %dma_start3A_8 = tpu.memref_squeeze %dma_start3A_7 : memref<1x125x80xi32, #tpu.memory_space<hbm>> -> memref<125x80xi32, #tpu.memory_space<hbm>>
    tpu.enqueue_dma source(%dma_start3A_8 : memref<125x80xi32, #tpu.memory_space<hbm>>) target(%arg7 : memref<125x80xi32, #tpu.memory_space<vmem>>) target_semaphore(%arg13 : memref<!tpu.dma_semaphore, #tpu.memory_space<semaphore_mem>>)
    %dma_start3A_9 = arith.constant 0 : i32
    %dma_start3A_10 = arith.constant 0 : i32
    %dma_start3A_11 = tpu.memref_slice %arg4[%add3A, %dma_start3A_9, %dma_start3A_10] : memref<32x125x80xi32, #tpu.memory_space<hbm>> -> memref<1x125x80xi32, #tpu.memory_space<hbm>>
    %dma_start3A_12 = tpu.memref_squeeze %dma_start3A_11 : memref<1x125x80xi32, #tpu.memory_space<hbm>> -> memref<125x80xi32, #tpu.memory_space<hbm>>
    %dma_start3A_13 = arith.constant 0 : i32
    %dma_start3A_14 = arith.constant 0 : i32
    %dma_start3A_15 = tpu.memref_slice %arg4[%add3A, %dma_start3A_13, %dma_start3A_14] : memref<32x125x80xi32, #tpu.memory_space<hbm>> -> memref<1x125x80xi32, #tpu.memory_space<hbm>>
    %dma_start3A_16 = tpu.memref_squeeze %dma_start3A_15 : memref<1x125x80xi32, #tpu.memory_space<hbm>> -> memref<125x80xi32, #tpu.memory_space<hbm>>
    tpu.enqueue_dma source(%dma_start3A_16 : memref<125x80xi32, #tpu.memory_space<hbm>>) target(%arg8 : memref<125x80xi32, #tpu.memory_space<vmem>>) target_semaphore(%arg13 : memref<!tpu.dma_semaphore, #tpu.memory_space<semaphore_mem>>)
    %scan3A = arith.constant 0 : i32
    %scan3A_17 = arith.constant 0 : i32
    %scan3A_18 = arith.constant 384 : i32
    %scan3A_19 = arith.addi %scan3A_17, %scan3A_18 : i32
    %scan3A_20 = arith.constant 1 : i32
    scf.for %scan3A_89 = %scan3A_17 to %scan3A_19 step %scan3A_20  : i32 {
      %swap3A = arith.index_cast %scan3A_89 : i32 to index
      %swap3A_90 = arith.constant 0 : index
      %swap3A_91 = tpu.vector_load %arg9[%swap3A, %swap3A_90] {strides = array<i32>} : memref<320x48xf32, #tpu.memory_space<vmem>>, vector<1x16xf32>,
      %swap3A_92 = vector.shape_cast %swap3A_91 : vector<1x16xf32> to vector<16xf32>
      %swap3A_93 = vector.shape_cast %broadcast_in_dim3A_1 : vector<16xf32> to vector<1x16xf32>
      tpu.vector_store %arg9[%swap3A, %swap3A_90], %swap3A_93 {strides = array<i32>} : memref<320x48xf32, #tpu.memory_space<vmem>>, vector<1x16xf32>,
      %swap3A_94 = arith.index_cast %scan3A_89 : i32 to index
      %swap3A_95 = arith.constant 16 : index
      %swap3A_96 = tpu.vector_load %arg9[%swap3A_94, %swap3A_95] {strides = array<i32>} : memref<320x48xf32, #tpu.memory_space<vmem>>, vector<1x16xf32>,
      %swap3A_97 = vector.shape_cast %swap3A_96 : vector<1x16xf32> to vector<16xf32>
      %swap3A_98 = vector.shape_cast %broadcast_in_dim3A_1 : vector<16xf32> to vector<1x16xf32>
      tpu.vector_store %arg9[%swap3A_94, %swap3A_95], %swap3A_98 {strides = array<i32>} : memref<320x48xf32, #tpu.memory_space<vmem>>, vector<1x16xf32>,
      %swap3A_99 = arith.index_cast %scan3A_89 : i32 to index
      %swap3A_100 = arith.constant 32 : index
      %swap3A_101 = tpu.vector_load %arg9[%swap3A_99, %swap3A_100] {strides = array<i32>} : memref<320x48xf32, #tpu.memory_space<vmem>>, vector<1x16xf32>,
      %swap3A_102 = vector.shape_cast %swap3A_101 : vector<1x16xf32> to vector<16xf32>
      %swap3A_103 = vector.shape_cast %broadcast_in_dim3A_1 : vector<16xf32> to vector<1x16xf32>
      tpu.vector_store %arg9[%swap3A_99, %swap3A_100], %swap3A_103 {strides = array<i32>} : memref<320x48xf32, #tpu.memory_space<vmem>>, vector<1x16xf32>,
    }
    %scan3A_21 = arith.constant 384 : i32
    %scan3A_22 = arith.constant 0 : i32
    %scan3A_23 = arith.constant 0 : i32
    %scan3A_24 = arith.constant 5 : i32
    %scan3A_25 = arith.addi %scan3A_23, %scan3A_24 : i32
    %scan3A_26 = arith.constant 1 : i32
    scf.for %scan3A_89 = %scan3A_23 to %scan3A_25 step %scan3A_26  : i32 {
      %mul3A_90 = arith.constant 1920 : i32
      %mul3A_91 = arith.muli %arg1, %mul3A_90 : i32
      %mul3A_92 = arith.constant 384 : i32
      %mul3A_93 = arith.muli %scan3A_89, %mul3A_92 : i32
      %add3A_94 = arith.addi %mul3A_91, %mul3A_93 : i32
      "tpu.region"() ({
        %run_scoped3A = tpu.sem_alloc : memref<!tpu.dma_semaphore, #tpu.memory_space<semaphore_mem>>
        %dma_start3A_95 = arith.constant 0 : i32
        %dma_start3A_96 = arith.constant 0 : i32
        %dma_start3A_97 = tpu.memref_slice %arg9[%dma_start3A_95, %dma_start3A_96] : memref<320x48xf32, #tpu.memory_space<vmem>> -> memref<384x48xf32, #tpu.memory_space<vmem>>
        %dma_start3A_98 = arith.constant 0 : i32
        %dma_start3A_99 = tpu.memref_slice %arg10[%add3A_94, %dma_start3A_98] : memref<30720x48xf32, #tpu.memory_space<vmem_shared>> -> memref<384x48xf32, #tpu.memory_space<vmem_shared>>
        %dma_start3A_100 = arith.constant 0 : i32
        %dma_start3A_101 = tpu.memref_slice %arg10[%add3A_94, %dma_start3A_100] : memref<30720x48xf32, #tpu.memory_space<vmem_shared>> -> memref<384x48xf32, #tpu.memory_space<vmem_shared>>
        %dma_start3A_102 = arith.constant 0 : i32
        %dma_start3A_103 = arith.constant 0 : i32
        %dma_start3A_104 = tpu.memref_slice %arg9[%dma_start3A_102, %dma_start3A_103] : memref<320x48xf32, #tpu.memory_space<vmem>> -> memref<384x48xf32, #tpu.memory_space<vmem>>
        tpu.enqueue_dma source(%dma_start3A_104 : memref<384x48xf32, #tpu.memory_space<vmem>>) target(%dma_start3A_101 : memref<384x48xf32, #tpu.memory_space<vmem_shared>>) target_semaphore(%run_scoped3A : memref<!tpu.dma_semaphore, #tpu.memory_space<semaphore_mem>>)
        %dma_wait3A_105 = arith.constant 0 : i32
        %dma_wait3A_106 = arith.constant 0 : i32
        %dma_wait3A_107 = tpu.memref_slice %arg9[%dma_wait3A_105, %dma_wait3A_106] : memref<320x48xf32, #tpu.memory_space<vmem>> -> memref<384x48xf32, #tpu.memory_space<vmem>>
        %dma_wait3A_108 = arith.constant 0 : i32
        %dma_wait3A_109 = tpu.memref_slice %arg10[%add3A_94, %dma_wait3A_108] : memref<30720x48xf32, #tpu.memory_space<vmem_shared>> -> memref<384x48xf32, #tpu.memory_space<vmem_shared>>
        %dma_wait3A_110 = arith.constant 0 : i32
        %dma_wait3A_111 = tpu.memref_slice %arg10[%add3A_94, %dma_wait3A_110] : memref<30720x48xf32, #tpu.memory_space<vmem_shared>> -> memref<384x48xf32, #tpu.memory_space<vmem_shared>>
        %dma_wait3A_112 = arith.constant 0 : i32
        %dma_wait3A_113 = arith.constant 0 : i32
        %dma_wait3A_114 = tpu.memref_slice %arg9[%dma_wait3A_112, %dma_wait3A_113] : memref<320x48xf32, #tpu.memory_space<vmem>> -> memref<384x48xf32, #tpu.memory_space<vmem>>
        tpu.wait_dma2 semaphore(%run_scoped3A : memref<!tpu.dma_semaphore, #tpu.memory_space<semaphore_mem>>) src(%dma_wait3A_114 : memref<384x48xf32, #tpu.memory_space<vmem>>) dst(%dma_wait3A_111 : memref<384x48xf32, #tpu.memory_space<vmem_shared>>)
        tpu.yield
      }) : () -> ()
    }
    %scan3A_27 = arith.constant 5 : i32
    %dma_wait3A = arith.constant 0 : i32
    %dma_wait3A_28 = arith.constant 0 : i32
    %dma_wait3A_29 = tpu.memref_slice %arg3[%add3A, %dma_wait3A, %dma_wait3A_28] : memref<32x125x80xi32, #tpu.memory_space<hbm>> -> memref<1x125x80xi32, #tpu.memory_space<hbm>>
    %dma_wait3A_30 = tpu.memref_squeeze %dma_wait3A_29 : memref<1x125x80xi32, #tpu.memory_space<hbm>> -> memref<125x80xi32, #tpu.memory_space<hbm>>
    %dma_wait3A_31 = arith.constant 0 : i32
    %dma_wait3A_32 = arith.constant 0 : i32
    %dma_wait3A_33 = tpu.memref_slice %arg3[%add3A, %dma_wait3A_31, %dma_wait3A_32] : memref<32x125x80xi32, #tpu.memory_space<hbm>> -> memref<1x125x80xi32, #tpu.memory_space<hbm>>
    %dma_wait3A_34 = tpu.memref_squeeze %dma_wait3A_33 : memref<1x125x80xi32, #tpu.memory_space<hbm>> -> memref<125x80xi32, #tpu.memory_space<hbm>>
    tpu.wait_dma2 semaphore(%arg13 : memref<!tpu.dma_semaphore, #tpu.memory_space<semaphore_mem>>) src(%dma_wait3A_34 : memref<125x80xi32, #tpu.memory_space<hbm>>) dst(%arg7 : memref<125x80xi32, #tpu.memory_space<vmem>>)
    %dma_wait3A_35 = arith.constant 0 : i32
    %dma_wait3A_36 = arith.constant 0 : i32
    %dma_wait3A_37 = tpu.memref_slice %arg4[%add3A, %dma_wait3A_35, %dma_wait3A_36] : memref<32x125x80xi32, #tpu.memory_space<hbm>> -> memref<1x125x80xi32, #tpu.memory_space<hbm>>
    %dma_wait3A_38 = tpu.memref_squeeze %dma_wait3A_37 : memref<1x125x80xi32, #tpu.memory_space<hbm>> -> memref<125x80xi32, #tpu.memory_space<hbm>>
    %dma_wait3A_39 = arith.constant 0 : i32
    %dma_wait3A_40 = arith.constant 0 : i32
    %dma_wait3A_41 = tpu.memref_slice %arg4[%add3A, %dma_wait3A_39, %dma_wait3A_40] : memref<32x125x80xi32, #tpu.memory_space<hbm>> -> memref<1x125x80xi32, #tpu.memory_space<hbm>>
    %dma_wait3A_42 = tpu.memref_squeeze %dma_wait3A_41 : memref<1x125x80xi32, #tpu.memory_space<hbm>> -> memref<125x80xi32, #tpu.memory_space<hbm>>
    tpu.wait_dma2 semaphore(%arg13 : memref<!tpu.dma_semaphore, #tpu.memory_space<semaphore_mem>>) src(%dma_wait3A_42 : memref<125x80xi32, #tpu.memory_space<hbm>>) dst(%arg8 : memref<125x80xi32, #tpu.memory_space<vmem>>)
    %dma_start3A_43 = arith.constant 0 : i32
    %dma_start3A_44 = arith.constant 0 : i32
    %dma_start3A_45 = arith.constant 0 : i32
    %dma_start3A_46 = arith.constant 0 : i32
    %dma_start3A_47 = tpu.memref_slice %arg9[%dma_start3A_45, %dma_start3A_46] : memref<320x48xf32, #tpu.memory_space<vmem>> -> memref<80x48xf32, #tpu.memory_space<vmem>>
    %dma_start3A_48 = arith.constant 0 : i32
    %dma_start3A_49 = tpu.memref_slice %arg7[%dma_start3A_43, %dma_start3A_48] : memref<125x80xi32, #tpu.memory_space<vmem>> -> memref<1x80xi32, #tpu.memory_space<vmem>>
    %dma_start3A_50 = tpu.memref_squeeze %dma_start3A_49 : memref<1x80xi32, #tpu.memory_space<vmem>> -> memref<80xi32, #tpu.memory_space<vmem>>
    %dma_start3A_51 = arith.constant 0 : i32
    %dma_start3A_52 = arith.constant 0 : i32
    %dma_start3A_53 = tpu.memref_slice %arg2[%dma_start3A_51, %dma_start3A_52] : memref<30720x48xf32, #tpu.memory_space<hbm>> -> memref<30720x48xf32, #tpu.memory_space<hbm>>
    %dma_start3A_54 = tpu.memref_slice %arg11[%dma_start3A_44] : memref<4x!tpu.dma_semaphore, #tpu.memory_space<semaphore_mem>> -> memref<1x!tpu.dma_semaphore, #tpu.memory_space<semaphore_mem>>
    %dma_start3A_55 = tpu.memref_squeeze %dma_start3A_54 : memref<1x!tpu.dma_semaphore, #tpu.memory_space<semaphore_mem>> -> memref<!tpu.dma_semaphore, #tpu.memory_space<semaphore_mem>>
    tpu.enqueue_indirect_dma source(%dma_start3A_53 : memref<30720x48xf32, #tpu.memory_space<hbm>>) target(%dma_start3A_47 : memref<80x48xf32, #tpu.memory_space<vmem>>) offsets(%dma_start3A_50 : memref<80xi32, #tpu.memory_space<vmem>>) semaphore(%dma_start3A_55 : memref<!tpu.dma_semaphore, #tpu.memory_space<semaphore_mem>>)
    %dma_start3A_56 = arith.constant 1 : i32
    %dma_start3A_57 = arith.constant 1 : i32
    %dma_start3A_58 = arith.constant 80 : i32
    %dma_start3A_59 = arith.constant 0 : i32
    %dma_start3A_60 = tpu.memref_slice %arg9[%dma_start3A_58, %dma_start3A_59] : memref<320x48xf32, #tpu.memory_space<vmem>> -> memref<80x48xf32, #tpu.memory_space<vmem>>
    %dma_start3A_61 = arith.constant 0 : i32
    %dma_start3A_62 = tpu.memref_slice %arg7[%dma_start3A_56, %dma_start3A_61] : memref<125x80xi32, #tpu.memory_space<vmem>> -> memref<1x80xi32, #tpu.memory_space<vmem>>
    %dma_start3A_63 = tpu.memref_squeeze %dma_start3A_62 : memref<1x80xi32, #tpu.memory_space<vmem>> -> memref<80xi32, #tpu.memory_space<vmem>>
    %dma_start3A_64 = arith.constant 0 : i32
    %dma_start3A_65 = arith.constant 0 : i32
    %dma_start3A_66 = tpu.memref_slice %arg2[%dma_start3A_64, %dma_start3A_65] : memref<30720x48xf32, #tpu.memory_space<hbm>> -> memref<30720x48xf32, #tpu.memory_space<hbm>>
    %dma_start3A_67 = tpu.memref_slice %arg11[%dma_start3A_57] : memref<4x!tpu.dma_semaphore, #tpu.memory_space<semaphore_mem>> -> memref<1x!tpu.dma_semaphore, #tpu.memory_space<semaphore_mem>>
    %dma_start3A_68 = tpu.memref_squeeze %dma_start3A_67 : memref<1x!tpu.dma_semaphore, #tpu.memory_space<semaphore_mem>> -> memref<!tpu.dma_semaphore, #tpu.memory_space<semaphore_mem>>
    tpu.enqueue_indirect_dma source(%dma_start3A_66 : memref<30720x48xf32, #tpu.memory_space<hbm>>) target(%dma_start3A_60 : memref<80x48xf32, #tpu.memory_space<vmem>>) offsets(%dma_start3A_63 : memref<80xi32, #tpu.memory_space<vmem>>) semaphore(%dma_start3A_68 : memref<!tpu.dma_semaphore, #tpu.memory_space<semaphore_mem>>)
    %barrier3A = arith.constant 0 : index
    tpu.barrier barrier_id(%barrier3A)
    %scan3A_69 = arith.constant 0 : i32
    %scan3A_70 = arith.constant 0 : i32
    %scan3A_71 = arith.constant 125 : i32
    %scan3A_72 = arith.addi %scan3A_70, %scan3A_71 : i32
    %scan3A_73 = arith.constant 1 : i32
    scf.for %scan3A_89 = %scan3A_70 to %scan3A_72 step %scan3A_73  : i32 {
      %rem3A = arith.constant 4 : i32
      %rem3A_90 = arith.remsi %scan3A_89, %rem3A : i32
      %mul3A_91 = arith.constant 80 : i32
      %mul3A_92 = arith.muli %rem3A_90, %mul3A_91 : i32
      %dma_wait3A_93 = arith.constant 0 : i32
      %dma_wait3A_94 = tpu.memref_slice %arg9[%mul3A_92, %dma_wait3A_93] : memref<320x48xf32, #tpu.memory_space<vmem>> -> memref<80x48xf32, #tpu.memory_space<vmem>>
      %dma_wait3A_95 = arith.constant 0 : i32
      %dma_wait3A_96 = tpu.memref_slice %arg7[%scan3A_89, %dma_wait3A_95] : memref<125x80xi32, #tpu.memory_space<vmem>> -> memref<1x80xi32, #tpu.memory_space<vmem>>
      %dma_wait3A_97 = tpu.memref_squeeze %dma_wait3A_96 : memref<1x80xi32, #tpu.memory_space<vmem>> -> memref<80xi32, #tpu.memory_space<vmem>>
      %dma_wait3A_98 = arith.constant 0 : i32
      %dma_wait3A_99 = arith.constant 0 : i32
      %dma_wait3A_100 = tpu.memref_slice %arg2[%dma_wait3A_98, %dma_wait3A_99] : memref<30720x48xf32, #tpu.memory_space<hbm>> -> memref<30720x48xf32, #tpu.memory_space<hbm>>
      %dma_wait3A_101 = tpu.memref_slice %arg11[%rem3A_90] : memref<4x!tpu.dma_semaphore, #tpu.memory_space<semaphore_mem>> -> memref<1x!tpu.dma_semaphore, #tpu.memory_space<semaphore_mem>>
      %dma_wait3A_102 = tpu.memref_squeeze %dma_wait3A_101 : memref<1x!tpu.dma_semaphore, #tpu.memory_space<semaphore_mem>> -> memref<!tpu.dma_semaphore, #tpu.memory_space<semaphore_mem>>
      tpu.wait_indirect_dma semaphore(%dma_wait3A_102 : memref<!tpu.dma_semaphore, #tpu.memory_space<semaphore_mem>>) src(%dma_wait3A_100 : memref<30720x48xf32, #tpu.memory_space<hbm>>) dst(%dma_wait3A_94 : memref<80x48xf32, #tpu.memory_space<vmem>>)
      %mul3A_103 = arith.constant 80 : i32
      %mul3A_104 = arith.muli %rem3A_90, %mul3A_103 : i32
      %dma_start3A_105 = arith.constant 0 : i32
      %dma_start3A_106 = tpu.memref_slice %arg9[%mul3A_104, %dma_start3A_105] : memref<320x48xf32, #tpu.memory_space<vmem>> -> memref<80x48xf32, #tpu.memory_space<vmem>>
      %dma_start3A_107 = arith.constant 0 : i32
      %dma_start3A_108 = tpu.memref_slice %arg8[%scan3A_89, %dma_start3A_107] : memref<125x80xi32, #tpu.memory_space<vmem>> -> memref<1x80xi32, #tpu.memory_space<vmem>>
      %dma_start3A_109 = tpu.memref_squeeze %dma_start3A_108 : memref<1x80xi32, #tpu.memory_space<vmem>> -> memref<80xi32, #tpu.memory_space<vmem>>
      %dma_start3A_110 = arith.constant 0 : i32
      %dma_start3A_111 = arith.constant 0 : i32
      %dma_start3A_112 = tpu.memref_slice %arg10[%dma_start3A_110, %dma_start3A_111] : memref<30720x48xf32, #tpu.memory_space<vmem_shared>> -> memref<30720x48xf32, #tpu.memory_space<vmem_shared>>
      %dma_start3A_113 = tpu.memref_slice %arg12[%rem3A_90] : memref<4x!tpu.dma_semaphore, #tpu.memory_space<semaphore_mem>> -> memref<1x!tpu.dma_semaphore, #tpu.memory_space<semaphore_mem>>
      %dma_start3A_114 = tpu.memref_squeeze %dma_start3A_113 : memref<1x!tpu.dma_semaphore, #tpu.memory_space<semaphore_mem>> -> memref<!tpu.dma_semaphore, #tpu.memory_space<semaphore_mem>>
      tpu.enqueue_indirect_dma source(%dma_start3A_106 : memref<80x48xf32, #tpu.memory_space<vmem>>) target(%dma_start3A_112 : memref<30720x48xf32, #tpu.memory_space<vmem_shared>>) offsets(%dma_start3A_109 : memref<80xi32, #tpu.memory_space<vmem>>) semaphore(%dma_start3A_114 : memref<!tpu.dma_semaphore, #tpu.memory_space<semaphore_mem>>) {add = true}
      %add3A_115 = arith.constant 2 : i32
      %add3A_116 = arith.addi %scan3A_89, %add3A_115 : i32
      %rem3A_117 = arith.constant 4 : i32
      %rem3A_118 = arith.remsi %add3A_116, %rem3A_117 : i32
      %ge3A = arith.constant 2 : i32
      %ge3A_119 = arith.cmpi sge, %scan3A_89, %ge3A : i32
      %convert_element_type3A_120 = arith.extui %ge3A_119 : i1 to i32
      %cond3A_121 = arith.constant 0 : i32
      %cond3A_122 = arith.cmpi ne, %convert_element_type3A_120, %cond3A_121 : i32
      scf.if %cond3A_122 {
        %sub3A = arith.constant 2 : i32
        %sub3A_129 = arith.subi %scan3A_89, %sub3A : i32
        %mul3A_130 = arith.constant 80 : i32
        %mul3A_131 = arith.muli %rem3A_118, %mul3A_130 : i32
        %dma_wait3A_132 = arith.constant 0 : i32
        %dma_wait3A_133 = tpu.memref_slice %arg9[%mul3A_131, %dma_wait3A_132] : memref<320x48xf32, #tpu.memory_space<vmem>> -> memref<80x48xf32, #tpu.memory_space<vmem>>
        %dma_wait3A_134 = arith.constant 0 : i32
        %dma_wait3A_135 = tpu.memref_slice %arg8[%sub3A_129, %dma_wait3A_134] : memref<125x80xi32, #tpu.memory_space<vmem>> -> memref<1x80xi32, #tpu.memory_space<vmem>>
        %dma_wait3A_136 = tpu.memref_squeeze %dma_wait3A_135 : memref<1x80xi32, #tpu.memory_space<vmem>> -> memref<80xi32, #tpu.memory_space<vmem>>
        %dma_wait3A_137 = arith.constant 0 : i32
        %dma_wait3A_138 = arith.constant 0 : i32
        %dma_wait3A_139 = tpu.memref_slice %arg10[%dma_wait3A_137, %dma_wait3A_138] : memref<30720x48xf32, #tpu.memory_space<vmem_shared>> -> memref<30720x48xf32, #tpu.memory_space<vmem_shared>>
        %dma_wait3A_140 = tpu.memref_slice %arg12[%rem3A_118] : memref<4x!tpu.dma_semaphore, #tpu.memory_space<semaphore_mem>> -> memref<1x!tpu.dma_semaphore, #tpu.memory_space<semaphore_mem>>
        %dma_wait3A_141 = tpu.memref_squeeze %dma_wait3A_140 : memref<1x!tpu.dma_semaphore, #tpu.memory_space<semaphore_mem>> -> memref<!tpu.dma_semaphore, #tpu.memory_space<semaphore_mem>>
        tpu.wait_indirect_dma semaphore(%dma_wait3A_141 : memref<!tpu.dma_semaphore, #tpu.memory_space<semaphore_mem>>) src(%dma_wait3A_133 : memref<80x48xf32, #tpu.memory_space<vmem>>) dst(%dma_wait3A_139 : memref<30720x48xf32, #tpu.memory_space<vmem_shared>>)
      } else {
      }
      %add3A_123 = arith.constant 2 : i32
      %add3A_124 = arith.addi %scan3A_89, %add3A_123 : i32
      %lt3A = arith.constant 125 : i32
      %lt3A_125 = arith.cmpi slt, %add3A_124, %lt3A : i32
      %convert_element_type3A_126 = arith.extui %lt3A_125 : i1 to i32
      %cond3A_127 = arith.constant 0 : i32
      %cond3A_128 = arith.cmpi ne, %convert_element_type3A_126, %cond3A_127 : i32
      scf.if %cond3A_128 {
        %add3A_129 = arith.constant 2 : i32
        %add3A_130 = arith.addi %scan3A_89, %add3A_129 : i32
        %mul3A_131 = arith.constant 80 : i32
        %mul3A_132 = arith.muli %rem3A_118, %mul3A_131 : i32
        %dma_start3A_133 = arith.constant 0 : i32
        %dma_start3A_134 = tpu.memref_slice %arg9[%mul3A_132, %dma_start3A_133] : memref<320x48xf32, #tpu.memory_space<vmem>> -> memref<80x48xf32, #tpu.memory_space<vmem>>
        %dma_start3A_135 = arith.constant 0 : i32
        %dma_start3A_136 = tpu.memref_slice %arg7[%add3A_130, %dma_start3A_135] : memref<125x80xi32, #tpu.memory_space<vmem>> -> memref<1x80xi32, #tpu.memory_space<vmem>>
        %dma_start3A_137 = tpu.memref_squeeze %dma_start3A_136 : memref<1x80xi32, #tpu.memory_space<vmem>> -> memref<80xi32, #tpu.memory_space<vmem>>
        %dma_start3A_138 = arith.constant 0 : i32
        %dma_start3A_139 = arith.constant 0 : i32
        %dma_start3A_140 = tpu.memref_slice %arg2[%dma_start3A_138, %dma_start3A_139] : memref<30720x48xf32, #tpu.memory_space<hbm>> -> memref<30720x48xf32, #tpu.memory_space<hbm>>
        %dma_start3A_141 = tpu.memref_slice %arg11[%rem3A_118] : memref<4x!tpu.dma_semaphore, #tpu.memory_space<semaphore_mem>> -> memref<1x!tpu.dma_semaphore, #tpu.memory_space<semaphore_mem>>
        %dma_start3A_142 = tpu.memref_squeeze %dma_start3A_141 : memref<1x!tpu.dma_semaphore, #tpu.memory_space<semaphore_mem>> -> memref<!tpu.dma_semaphore, #tpu.memory_space<semaphore_mem>>
        tpu.enqueue_indirect_dma source(%dma_start3A_140 : memref<30720x48xf32, #tpu.memory_space<hbm>>) target(%dma_start3A_134 : memref<80x48xf32, #tpu.memory_space<vmem>>) offsets(%dma_start3A_137 : memref<80xi32, #tpu.memory_space<vmem>>) semaphore(%dma_start3A_142 : memref<!tpu.dma_semaphore, #tpu.memory_space<semaphore_mem>>)
      } else {
      }
    }
    %scan3A_74 = arith.constant 125 : i32
    %scan3A_75 = arith.constant 0 : i32
    %scan3A_76 = arith.constant 123 : i32
    %scan3A_77 = arith.constant 2 : i32
    %scan3A_78 = arith.addi %scan3A_76, %scan3A_77 : i32
    %scan3A_79 = arith.constant 1 : i32
    scf.for %scan3A_89 = %scan3A_76 to %scan3A_78 step %scan3A_79  : i32 {
      %rem3A = arith.constant 4 : i32
      %rem3A_90 = arith.remsi %scan3A_89, %rem3A : i32
      %mul3A_91 = arith.constant 80 : i32
      %mul3A_92 = arith.muli %rem3A_90, %mul3A_91 : i32
      %dma_wait3A_93 = arith.constant 0 : i32
      %dma_wait3A_94 = tpu.memref_slice %arg9[%mul3A_92, %dma_wait3A_93] : memref<320x48xf32, #tpu.memory_space<vmem>> -> memref<80x48xf32, #tpu.memory_space<vmem>>
      %dma_wait3A_95 = arith.constant 0 : i32
      %dma_wait3A_96 = tpu.memref_slice %arg8[%scan3A_89, %dma_wait3A_95] : memref<125x80xi32, #tpu.memory_space<vmem>> -> memref<1x80xi32, #tpu.memory_space<vmem>>
      %dma_wait3A_97 = tpu.memref_squeeze %dma_wait3A_96 : memref<1x80xi32, #tpu.memory_space<vmem>> -> memref<80xi32, #tpu.memory_space<vmem>>
      %dma_wait3A_98 = arith.constant 0 : i32
      %dma_wait3A_99 = arith.constant 0 : i32
      %dma_wait3A_100 = tpu.memref_slice %arg10[%dma_wait3A_98, %dma_wait3A_99] : memref<30720x48xf32, #tpu.memory_space<vmem_shared>> -> memref<30720x48xf32, #tpu.memory_space<vmem_shared>>
      %dma_wait3A_101 = tpu.memref_slice %arg12[%rem3A_90] : memref<4x!tpu.dma_semaphore, #tpu.memory_space<semaphore_mem>> -> memref<1x!tpu.dma_semaphore, #tpu.memory_space<semaphore_mem>>
      %dma_wait3A_102 = tpu.memref_squeeze %dma_wait3A_101 : memref<1x!tpu.dma_semaphore, #tpu.memory_space<semaphore_mem>> -> memref<!tpu.dma_semaphore, #tpu.memory_space<semaphore_mem>>
      tpu.wait_indirect_dma semaphore(%dma_wait3A_102 : memref<!tpu.dma_semaphore, #tpu.memory_space<semaphore_mem>>) src(%dma_wait3A_94 : memref<80x48xf32, #tpu.memory_space<vmem>>) dst(%dma_wait3A_100 : memref<30720x48xf32, #tpu.memory_space<vmem_shared>>)
    }
    %scan3A_80 = arith.constant 2 : i32
    %barrier3A_81 = arith.constant 0 : index
    tpu.barrier barrier_id(%barrier3A_81)
    %eq3A = arith.constant 0 : i32
    %eq3A_82 = arith.cmpi eq, %arg0, %eq3A : i32
    %convert_element_type3A = arith.extui %eq3A_82 : i1 to i32
    %cond3A = arith.constant 0 : i32
    %cond3A_83 = arith.cmpi ne, %convert_element_type3A, %cond3A : i32
    scf.if %cond3A_83 {
      %scan3A_89 = arith.constant 0 : i32
      %scan3A_90 = arith.constant 0 : i32
      %scan3A_91 = arith.constant 16 : i32
      %scan3A_92 = arith.addi %scan3A_90, %scan3A_91 : i32
      %scan3A_93 = arith.constant 1 : i32
      scf.for %scan3A_101 = %scan3A_90 to %scan3A_92 step %scan3A_93  : i32 {
        %mul3A_102 = arith.constant 1920 : i32
        %mul3A_103 = arith.muli %arg1, %mul3A_102 : i32
        %mul3A_104 = arith.constant 120 : i32
        %mul3A_105 = arith.muli %scan3A_101, %mul3A_104 : i32
        %add3A_106 = arith.addi %mul3A_103, %mul3A_105 : i32
        %dma_start3A_107 = arith.constant 0 : i32
        %dma_start3A_108 = tpu.memref_slice %arg5[%add3A_106, %dma_start3A_107] : memref<30720x48xf32, #tpu.memory_space<hbm>> -> memref<120x48xf32, #tpu.memory_space<hbm>>
        %dma_start3A_109 = arith.constant 0 : i32
        %dma_start3A_110 = tpu.memref_slice %arg10[%add3A_106, %dma_start3A_109] : memref<30720x48xf32, #tpu.memory_space<vmem_shared>> -> memref<120x48xf32, #tpu.memory_space<vmem_shared>>
        tpu.enqueue_dma source(%dma_start3A_110 : memref<120x48xf32, #tpu.memory_space<vmem_shared>>) target(%dma_start3A_108 : memref<120x48xf32, #tpu.memory_space<hbm>>) target_semaphore(%arg13 : memref<!tpu.dma_semaphore, #tpu.memory_space<semaphore_mem>>)
      }
      %scan3A_94 = arith.constant 16 : i32
      %scan3A_95 = arith.constant 0 : i32
      %scan3A_96 = arith.constant 0 : i32
      %scan3A_97 = arith.constant 16 : i32
      %scan3A_98 = arith.addi %scan3A_96, %scan3A_97 : i32
      %scan3A_99 = arith.constant 1 : i32
      scf.for %scan3A_101 = %scan3A_96 to %scan3A_98 step %scan3A_99  : i32 {
        %mul3A_102 = arith.constant 1920 : i32
        %mul3A_103 = arith.muli %arg1, %mul3A_102 : i32
        %mul3A_104 = arith.constant 120 : i32
        %mul3A_105 = arith.muli %scan3A_101, %mul3A_104 : i32
        %add3A_106 = arith.addi %mul3A_103, %mul3A_105 : i32
        %dma_wait3A_107 = arith.constant 0 : i32
        %dma_wait3A_108 = tpu.memref_slice %arg5[%add3A_106, %dma_wait3A_107] : memref<30720x48xf32, #tpu.memory_space<hbm>> -> memref<120x48xf32, #tpu.memory_space<hbm>>
        %dma_wait3A_109 = arith.constant 0 : i32
        %dma_wait3A_110 = tpu.memref_slice %arg10[%add3A_106, %dma_wait3A_109] : memref<30720x48xf32, #tpu.memory_space<vmem_shared>> -> memref<120x48xf32, #tpu.memory_space<vmem_shared>>
        tpu.wait_dma2 semaphore(%arg13 : memref<!tpu.dma_semaphore, #tpu.memory_space<semaphore_mem>>) src(%dma_wait3A_110 : memref<120x48xf32, #tpu.memory_space<vmem_shared>>) dst(%dma_wait3A_108 : memref<120x48xf32, #tpu.memory_space<hbm>>)
      }
      %scan3A_100 = arith.constant 16 : i32
    } else {
    }
    %eq3A_84 = arith.constant 1 : i32
    %eq3A_85 = arith.cmpi eq, %arg0, %eq3A_84 : i32
    %convert_element_type3A_86 = arith.extui %eq3A_85 : i1 to i32
    %cond3A_87 = arith.constant 0 : i32
    %cond3A_88 = arith.cmpi ne, %convert_element_type3A_86, %cond3A_87 : i32
    scf.if %cond3A_88 {
      %scan3A_89 = arith.constant 0 : i32
      %scan3A_90 = arith.constant 0 : i32
      %scan3A_91 = arith.constant 16 : i32
      %scan3A_92 = arith.addi %scan3A_90, %scan3A_91 : i32
      %scan3A_93 = arith.constant 1 : i32
      scf.for %scan3A_101 = %scan3A_90 to %scan3A_92 step %scan3A_93  : i32 {
        %mul3A_102 = arith.constant 1920 : i32
        %mul3A_103 = arith.muli %arg1, %mul3A_102 : i32
        %mul3A_104 = arith.constant 120 : i32
        %mul3A_105 = arith.muli %scan3A_101, %mul3A_104 : i32
        %add3A_106 = arith.addi %mul3A_103, %mul3A_105 : i32
        %dma_start3A_107 = arith.constant 0 : i32
        %dma_start3A_108 = tpu.memref_slice %arg6[%add3A_106, %dma_start3A_107] : memref<30720x48xf32, #tpu.memory_space<hbm>> -> memref<120x48xf32, #tpu.memory_space<hbm>>
        %dma_start3A_109 = arith.constant 0 : i32
        %dma_start3A_110 = tpu.memref_slice %arg10[%add3A_106, %dma_start3A_109] : memref<30720x48xf32, #tpu.memory_space<vmem_shared>> -> memref<120x48xf32, #tpu.memory_space<vmem_shared>>
        tpu.enqueue_dma source(%dma_start3A_110 : memref<120x48xf32, #tpu.memory_space<vmem_shared>>) target(%dma_start3A_108 : memref<120x48xf32, #tpu.memory_space<hbm>>) target_semaphore(%arg13 : memref<!tpu.dma_semaphore, #tpu.memory_space<semaphore_mem>>)
      }
      %scan3A_94 = arith.constant 16 : i32
      %scan3A_95 = arith.constant 0 : i32
      %scan3A_96 = arith.constant 0 : i32
      %scan3A_97 = arith.constant 16 : i32
      %scan3A_98 = arith.addi %scan3A_96, %scan3A_97 : i32
      %scan3A_99 = arith.constant 1 : i32
      scf.for %scan3A_101 = %scan3A_96 to %scan3A_98 step %scan3A_99  : i32 {
        %mul3A_102 = arith.constant 1920 : i32
        %mul3A_103 = arith.muli %arg1, %mul3A_102 : i32
        %mul3A_104 = arith.constant 120 : i32
        %mul3A_105 = arith.muli %scan3A_101, %mul3A_104 : i32
        %add3A_106 = arith.addi %mul3A_103, %mul3A_105 : i32
        %dma_wait3A_107 = arith.constant 0 : i32
        %dma_wait3A_108 = tpu.memref_slice %arg6[%add3A_106, %dma_wait3A_107] : memref<30720x48xf32, #tpu.memory_space<hbm>> -> memref<120x48xf32, #tpu.memory_space<hbm>>
        %dma_wait3A_109 = arith.constant 0 : i32
        %dma_wait3A_110 = tpu.memref_slice %arg10[%add3A_106, %dma_wait3A_109] : memref<30720x48xf32, #tpu.memory_space<vmem_shared>> -> memref<120x48xf32, #tpu.memory_space<vmem_shared>>
        tpu.wait_dma2 semaphore(%arg13 : memref<!tpu.dma_semaphore, #tpu.memory_space<semaphore_mem>>) src(%dma_wait3A_110 : memref<120x48xf32, #tpu.memory_space<vmem_shared>>) dst(%dma_wait3A_108 : memref<120x48xf32, #tpu.memory_space<hbm>>)
      }
      %scan3A_100 = arith.constant 16 : i32
    } else {
    }
    return
  }
}

#map = affine_map<(d0, d1) -> (0, 0)>
#map1 = affine_map<(d0, d1) -> (0, 0, 0)>
module attributes {stable_mosaic.version = 14 : i64} {
  func.func @_edge_pass(%arg0: i32, %arg1: i32, %arg2: memref<30720x48xf32, #tpu.memory_space<hbm>>, %arg3: memref<32x125x80xi32, #tpu.memory_space<hbm>>, %arg4: memref<32x125x80xi32, #tpu.memory_space<hbm>>, %arg5: memref<30720x48xf32, #tpu.memory_space<hbm>>, %arg6: memref<30720x48xf32, #tpu.memory_space<hbm>>, %arg7: memref<125x80xi32, #tpu.memory_space<vmem>>, %arg8: memref<125x80xi32, #tpu.memory_space<vmem>>, %arg9: memref<320x48xf32, #tpu.memory_space<vmem>>, %arg10: memref<30720x48xf32, #tpu.memory_space<vmem_shared>>, %arg11: memref<4x!tpu.dma_semaphore, #tpu.memory_space<semaphore_mem>>, %arg12: memref<4x!tpu.dma_semaphore, #tpu.memory_space<semaphore_mem>>, %arg13: memref<!tpu.dma_semaphore, #tpu.memory_space<semaphore_mem>>) attributes {dimension_semantics = [#tpu.dimension_semantics<core_parallel>, #tpu.dimension_semantics<subcore_parallel>], iteration_bounds = array<i64: 2, 16>, scalar_prefetch = 0 : i64, scratch_operands = 7 : i64, tpu.core_type = #tpu.core_type<sc_vector_subcore>, window_params = [{transform_indices = #map}, {transform_indices = #map1}, {transform_indices = #map1}, {transform_indices = #map}, {transform_indices = #map}]} {
    %mul3A = arith.constant 16 : i32
    %mul3A_0 = arith.muli %arg0, %mul3A : i32
    %add3A = arith.addi %mul3A_0, %arg1 : i32
    %broadcast_in_dim3A = arith.constant 0.000000e+00 : f32
    %broadcast_in_dim3A_1 = vector.broadcast %broadcast_in_dim3A : f32 to vector<16xf32>
    %dma_start3A = arith.constant 0 : i32
    %dma_start3A_2 = arith.constant 0 : i32
    %dma_start3A_3 = tpu.memref_slice %arg3[%add3A, %dma_start3A, %dma_start3A_2] : memref<32x125x80xi32, #tpu.memory_space<hbm>> -> memref<1x125x80xi32, #tpu.memory_space<hbm>>
    %dma_start3A_4 = tpu.memref_squeeze %dma_start3A_3 : memref<1x125x80xi32, #tpu.memory_space<hbm>> -> memref<125x80xi32, #tpu.memory_space<hbm>>
    %dma_start3A_5 = arith.constant 0 : i32
    %dma_start3A_6 = arith.constant 0 : i32
    %dma_start3A_7 = tpu.memref_slice %arg3[%add3A, %dma_start3A_5, %dma_start3A_6] : memref<32x125x80xi32, #tpu.memory_space<hbm>> -> memref<1x125x80xi32, #tpu.memory_space<hbm>>
    %dma_start3A_8 = tpu.memref_squeeze %dma_start3A_7 : memref<1x125x80xi32, #tpu.memory_space<hbm>> -> memref<125x80xi32, #tpu.memory_space<hbm>>
    tpu.enqueue_dma source(%dma_start3A_8 : memref<125x80xi32, #tpu.memory_space<hbm>>) target(%arg7 : memref<125x80xi32, #tpu.memory_space<vmem>>) target_semaphore(%arg13 : memref<!tpu.dma_semaphore, #tpu.memory_space<semaphore_mem>>)
    %dma_start3A_9 = arith.constant 0 : i32
    %dma_start3A_10 = arith.constant 0 : i32
    %dma_start3A_11 = tpu.memref_slice %arg4[%add3A, %dma_start3A_9, %dma_start3A_10] : memref<32x125x80xi32, #tpu.memory_space<hbm>> -> memref<1x125x80xi32, #tpu.memory_space<hbm>>
    %dma_start3A_12 = tpu.memref_squeeze %dma_start3A_11 : memref<1x125x80xi32, #tpu.memory_space<hbm>> -> memref<125x80xi32, #tpu.memory_space<hbm>>
    %dma_start3A_13 = arith.constant 0 : i32
    %dma_start3A_14 = arith.constant 0 : i32
    %dma_start3A_15 = tpu.memref_slice %arg4[%add3A, %dma_start3A_13, %dma_start3A_14] : memref<32x125x80xi32, #tpu.memory_space<hbm>> -> memref<1x125x80xi32, #tpu.memory_space<hbm>>
    %dma_start3A_16 = tpu.memref_squeeze %dma_start3A_15 : memref<1x125x80xi32, #tpu.memory_space<hbm>> -> memref<125x80xi32, #tpu.memory_space<hbm>>
    tpu.enqueue_dma source(%dma_start3A_16 : memref<125x80xi32, #tpu.memory_space<hbm>>) target(%arg8 : memref<125x80xi32, #tpu.memory_space<vmem>>) target_semaphore(%arg13 : memref<!tpu.dma_semaphore, #tpu.memory_space<semaphore_mem>>)
    %scan3A = arith.constant 0 : i32
    %scan3A_17 = arith.constant 0 : i32
    %scan3A_18 = arith.constant 384 : i32
    %scan3A_19 = arith.addi %scan3A_17, %scan3A_18 : i32
    %scan3A_20 = arith.constant 1 : i32
    scf.for %scan3A_89 = %scan3A_17 to %scan3A_19 step %scan3A_20  : i32 {
      %swap3A = arith.index_cast %scan3A_89 : i32 to index
      %swap3A_90 = arith.constant 0 : index
      %swap3A_91 = tpu.vector_load %arg9[%swap3A, %swap3A_90] {strides = array<i32>} : memref<320x48xf32, #tpu.memory_space<vmem>>, vector<1x16xf32>,
      %swap3A_92 = vector.shape_cast %swap3A_91 : vector<1x16xf32> to vector<16xf32>
      %swap3A_93 = vector.shape_cast %broadcast_in_dim3A_1 : vector<16xf32> to vector<1x16xf32>
      tpu.vector_store %arg9[%swap3A, %swap3A_90], %swap3A_93 {strides = array<i32>} : memref<320x48xf32, #tpu.memory_space<vmem>>, vector<1x16xf32>,
      %swap3A_94 = arith.index_cast %scan3A_89 : i32 to index
      %swap3A_95 = arith.constant 16 : index
      %swap3A_96 = tpu.vector_load %arg9[%swap3A_94, %swap3A_95] {strides = array<i32>} : memref<320x48xf32, #tpu.memory_space<vmem>>, vector<1x16xf32>,
      %swap3A_97 = vector.shape_cast %swap3A_96 : vector<1x16xf32> to vector<16xf32>
      %swap3A_98 = vector.shape_cast %broadcast_in_dim3A_1 : vector<16xf32> to vector<1x16xf32>
      tpu.vector_store %arg9[%swap3A_94, %swap3A_95], %swap3A_98 {strides = array<i32>} : memref<320x48xf32, #tpu.memory_space<vmem>>, vector<1x16xf32>,
      %swap3A_99 = arith.index_cast %scan3A_89 : i32 to index
      %swap3A_100 = arith.constant 32 : index
      %swap3A_101 = tpu.vector_load %arg9[%swap3A_99, %swap3A_100] {strides = array<i32>} : memref<320x48xf32, #tpu.memory_space<vmem>>, vector<1x16xf32>,
      %swap3A_102 = vector.shape_cast %swap3A_101 : vector<1x16xf32> to vector<16xf32>
      %swap3A_103 = vector.shape_cast %broadcast_in_dim3A_1 : vector<16xf32> to vector<1x16xf32>
      tpu.vector_store %arg9[%swap3A_99, %swap3A_100], %swap3A_103 {strides = array<i32>} : memref<320x48xf32, #tpu.memory_space<vmem>>, vector<1x16xf32>,
    }
    %scan3A_21 = arith.constant 384 : i32
    %scan3A_22 = arith.constant 0 : i32
    %scan3A_23 = arith.constant 0 : i32
    %scan3A_24 = arith.constant 5 : i32
    %scan3A_25 = arith.addi %scan3A_23, %scan3A_24 : i32
    %scan3A_26 = arith.constant 1 : i32
    scf.for %scan3A_89 = %scan3A_23 to %scan3A_25 step %scan3A_26  : i32 {
      %mul3A_90 = arith.constant 1920 : i32
      %mul3A_91 = arith.muli %arg1, %mul3A_90 : i32
      %mul3A_92 = arith.constant 384 : i32
      %mul3A_93 = arith.muli %scan3A_89, %mul3A_92 : i32
      %add3A_94 = arith.addi %mul3A_91, %mul3A_93 : i32
      "tpu.region"() ({
        %run_scoped3A = tpu.sem_alloc : memref<!tpu.dma_semaphore, #tpu.memory_space<semaphore_mem>>
        %dma_start3A_95 = arith.constant 0 : i32
        %dma_start3A_96 = arith.constant 0 : i32
        %dma_start3A_97 = tpu.memref_slice %arg9[%dma_start3A_95, %dma_start3A_96] : memref<320x48xf32, #tpu.memory_space<vmem>> -> memref<384x48xf32, #tpu.memory_space<vmem>>
        %dma_start3A_98 = arith.constant 0 : i32
        %dma_start3A_99 = tpu.memref_slice %arg10[%add3A_94, %dma_start3A_98] : memref<30720x48xf32, #tpu.memory_space<vmem_shared>> -> memref<384x48xf32, #tpu.memory_space<vmem_shared>>
        %dma_start3A_100 = arith.constant 0 : i32
        %dma_start3A_101 = tpu.memref_slice %arg10[%add3A_94, %dma_start3A_100] : memref<30720x48xf32, #tpu.memory_space<vmem_shared>> -> memref<384x48xf32, #tpu.memory_space<vmem_shared>>
        %dma_start3A_102 = arith.constant 0 : i32
        %dma_start3A_103 = arith.constant 0 : i32
        %dma_start3A_104 = tpu.memref_slice %arg9[%dma_start3A_102, %dma_start3A_103] : memref<320x48xf32, #tpu.memory_space<vmem>> -> memref<384x48xf32, #tpu.memory_space<vmem>>
        tpu.enqueue_dma source(%dma_start3A_104 : memref<384x48xf32, #tpu.memory_space<vmem>>) target(%dma_start3A_101 : memref<384x48xf32, #tpu.memory_space<vmem_shared>>) target_semaphore(%run_scoped3A : memref<!tpu.dma_semaphore, #tpu.memory_space<semaphore_mem>>)
        %dma_wait3A_105 = arith.constant 0 : i32
        %dma_wait3A_106 = arith.constant 0 : i32
        %dma_wait3A_107 = tpu.memref_slice %arg9[%dma_wait3A_105, %dma_wait3A_106] : memref<320x48xf32, #tpu.memory_space<vmem>> -> memref<384x48xf32, #tpu.memory_space<vmem>>
        %dma_wait3A_108 = arith.constant 0 : i32
        %dma_wait3A_109 = tpu.memref_slice %arg10[%add3A_94, %dma_wait3A_108] : memref<30720x48xf32, #tpu.memory_space<vmem_shared>> -> memref<384x48xf32, #tpu.memory_space<vmem_shared>>
        %dma_wait3A_110 = arith.constant 0 : i32
        %dma_wait3A_111 = tpu.memref_slice %arg10[%add3A_94, %dma_wait3A_110] : memref<30720x48xf32, #tpu.memory_space<vmem_shared>> -> memref<384x48xf32, #tpu.memory_space<vmem_shared>>
        %dma_wait3A_112 = arith.constant 0 : i32
        %dma_wait3A_113 = arith.constant 0 : i32
        %dma_wait3A_114 = tpu.memref_slice %arg9[%dma_wait3A_112, %dma_wait3A_113] : memref<320x48xf32, #tpu.memory_space<vmem>> -> memref<384x48xf32, #tpu.memory_space<vmem>>
        tpu.wait_dma2 semaphore(%run_scoped3A : memref<!tpu.dma_semaphore, #tpu.memory_space<semaphore_mem>>) src(%dma_wait3A_114 : memref<384x48xf32, #tpu.memory_space<vmem>>) dst(%dma_wait3A_111 : memref<384x48xf32, #tpu.memory_space<vmem_shared>>)
        tpu.yield
      }) : () -> ()
    }
    %scan3A_27 = arith.constant 5 : i32
    %dma_wait3A = arith.constant 0 : i32
    %dma_wait3A_28 = arith.constant 0 : i32
    %dma_wait3A_29 = tpu.memref_slice %arg3[%add3A, %dma_wait3A, %dma_wait3A_28] : memref<32x125x80xi32, #tpu.memory_space<hbm>> -> memref<1x125x80xi32, #tpu.memory_space<hbm>>
    %dma_wait3A_30 = tpu.memref_squeeze %dma_wait3A_29 : memref<1x125x80xi32, #tpu.memory_space<hbm>> -> memref<125x80xi32, #tpu.memory_space<hbm>>
    %dma_wait3A_31 = arith.constant 0 : i32
    %dma_wait3A_32 = arith.constant 0 : i32
    %dma_wait3A_33 = tpu.memref_slice %arg3[%add3A, %dma_wait3A_31, %dma_wait3A_32] : memref<32x125x80xi32, #tpu.memory_space<hbm>> -> memref<1x125x80xi32, #tpu.memory_space<hbm>>
    %dma_wait3A_34 = tpu.memref_squeeze %dma_wait3A_33 : memref<1x125x80xi32, #tpu.memory_space<hbm>> -> memref<125x80xi32, #tpu.memory_space<hbm>>
    tpu.wait_dma2 semaphore(%arg13 : memref<!tpu.dma_semaphore, #tpu.memory_space<semaphore_mem>>) src(%dma_wait3A_34 : memref<125x80xi32, #tpu.memory_space<hbm>>) dst(%arg7 : memref<125x80xi32, #tpu.memory_space<vmem>>)
    %dma_wait3A_35 = arith.constant 0 : i32
    %dma_wait3A_36 = arith.constant 0 : i32
    %dma_wait3A_37 = tpu.memref_slice %arg4[%add3A, %dma_wait3A_35, %dma_wait3A_36] : memref<32x125x80xi32, #tpu.memory_space<hbm>> -> memref<1x125x80xi32, #tpu.memory_space<hbm>>
    %dma_wait3A_38 = tpu.memref_squeeze %dma_wait3A_37 : memref<1x125x80xi32, #tpu.memory_space<hbm>> -> memref<125x80xi32, #tpu.memory_space<hbm>>
    %dma_wait3A_39 = arith.constant 0 : i32
    %dma_wait3A_40 = arith.constant 0 : i32
    %dma_wait3A_41 = tpu.memref_slice %arg4[%add3A, %dma_wait3A_39, %dma_wait3A_40] : memref<32x125x80xi32, #tpu.memory_space<hbm>> -> memref<1x125x80xi32, #tpu.memory_space<hbm>>
    %dma_wait3A_42 = tpu.memref_squeeze %dma_wait3A_41 : memref<1x125x80xi32, #tpu.memory_space<hbm>> -> memref<125x80xi32, #tpu.memory_space<hbm>>
    tpu.wait_dma2 semaphore(%arg13 : memref<!tpu.dma_semaphore, #tpu.memory_space<semaphore_mem>>) src(%dma_wait3A_42 : memref<125x80xi32, #tpu.memory_space<hbm>>) dst(%arg8 : memref<125x80xi32, #tpu.memory_space<vmem>>)
    %dma_start3A_43 = arith.constant 0 : i32
    %dma_start3A_44 = arith.constant 0 : i32
    %dma_start3A_45 = arith.constant 0 : i32
    %dma_start3A_46 = arith.constant 0 : i32
    %dma_start3A_47 = tpu.memref_slice %arg9[%dma_start3A_45, %dma_start3A_46] : memref<320x48xf32, #tpu.memory_space<vmem>> -> memref<80x48xf32, #tpu.memory_space<vmem>>
    %dma_start3A_48 = arith.constant 0 : i32
    %dma_start3A_49 = tpu.memref_slice %arg7[%dma_start3A_43, %dma_start3A_48] : memref<125x80xi32, #tpu.memory_space<vmem>> -> memref<1x80xi32, #tpu.memory_space<vmem>>
    %dma_start3A_50 = tpu.memref_squeeze %dma_start3A_49 : memref<1x80xi32, #tpu.memory_space<vmem>> -> memref<80xi32, #tpu.memory_space<vmem>>
    %dma_start3A_51 = arith.constant 0 : i32
    %dma_start3A_52 = arith.constant 0 : i32
    %dma_start3A_53 = tpu.memref_slice %arg2[%dma_start3A_51, %dma_start3A_52] : memref<30720x48xf32, #tpu.memory_space<hbm>> -> memref<30720x48xf32, #tpu.memory_space<hbm>>
    %dma_start3A_54 = tpu.memref_slice %arg11[%dma_start3A_44] : memref<4x!tpu.dma_semaphore, #tpu.memory_space<semaphore_mem>> -> memref<1x!tpu.dma_semaphore, #tpu.memory_space<semaphore_mem>>
    %dma_start3A_55 = tpu.memref_squeeze %dma_start3A_54 : memref<1x!tpu.dma_semaphore, #tpu.memory_space<semaphore_mem>> -> memref<!tpu.dma_semaphore, #tpu.memory_space<semaphore_mem>>
    tpu.enqueue_indirect_dma source(%dma_start3A_53 : memref<30720x48xf32, #tpu.memory_space<hbm>>) target(%dma_start3A_47 : memref<80x48xf32, #tpu.memory_space<vmem>>) offsets(%dma_start3A_50 : memref<80xi32, #tpu.memory_space<vmem>>) semaphore(%dma_start3A_55 : memref<!tpu.dma_semaphore, #tpu.memory_space<semaphore_mem>>)
    %dma_start3A_56 = arith.constant 1 : i32
    %dma_start3A_57 = arith.constant 1 : i32
    %dma_start3A_58 = arith.constant 80 : i32
    %dma_start3A_59 = arith.constant 0 : i32
    %dma_start3A_60 = tpu.memref_slice %arg9[%dma_start3A_58, %dma_start3A_59] : memref<320x48xf32, #tpu.memory_space<vmem>> -> memref<80x48xf32, #tpu.memory_space<vmem>>
    %dma_start3A_61 = arith.constant 0 : i32
    %dma_start3A_62 = tpu.memref_slice %arg7[%dma_start3A_56, %dma_start3A_61] : memref<125x80xi32, #tpu.memory_space<vmem>> -> memref<1x80xi32, #tpu.memory_space<vmem>>
    %dma_start3A_63 = tpu.memref_squeeze %dma_start3A_62 : memref<1x80xi32, #tpu.memory_space<vmem>> -> memref<80xi32, #tpu.memory_space<vmem>>
    %dma_start3A_64 = arith.constant 0 : i32
    %dma_start3A_65 = arith.constant 0 : i32
    %dma_start3A_66 = tpu.memref_slice %arg2[%dma_start3A_64, %dma_start3A_65] : memref<30720x48xf32, #tpu.memory_space<hbm>> -> memref<30720x48xf32, #tpu.memory_space<hbm>>
    %dma_start3A_67 = tpu.memref_slice %arg11[%dma_start3A_57] : memref<4x!tpu.dma_semaphore, #tpu.memory_space<semaphore_mem>> -> memref<1x!tpu.dma_semaphore, #tpu.memory_space<semaphore_mem>>
    %dma_start3A_68 = tpu.memref_squeeze %dma_start3A_67 : memref<1x!tpu.dma_semaphore, #tpu.memory_space<semaphore_mem>> -> memref<!tpu.dma_semaphore, #tpu.memory_space<semaphore_mem>>
    tpu.enqueue_indirect_dma source(%dma_start3A_66 : memref<30720x48xf32, #tpu.memory_space<hbm>>) target(%dma_start3A_60 : memref<80x48xf32, #tpu.memory_space<vmem>>) offsets(%dma_start3A_63 : memref<80xi32, #tpu.memory_space<vmem>>) semaphore(%dma_start3A_68 : memref<!tpu.dma_semaphore, #tpu.memory_space<semaphore_mem>>)
    %barrier3A = arith.constant 0 : index
    tpu.barrier barrier_id(%barrier3A)
    %scan3A_69 = arith.constant 0 : i32
    %scan3A_70 = arith.constant 0 : i32
    %scan3A_71 = arith.constant 125 : i32
    %scan3A_72 = arith.addi %scan3A_70, %scan3A_71 : i32
    %scan3A_73 = arith.constant 1 : i32
    scf.for %scan3A_89 = %scan3A_70 to %scan3A_72 step %scan3A_73  : i32 {
      %rem3A = arith.constant 4 : i32
      %rem3A_90 = arith.remsi %scan3A_89, %rem3A : i32
      %mul3A_91 = arith.constant 80 : i32
      %mul3A_92 = arith.muli %rem3A_90, %mul3A_91 : i32
      %dma_wait3A_93 = arith.constant 0 : i32
      %dma_wait3A_94 = tpu.memref_slice %arg9[%mul3A_92, %dma_wait3A_93] : memref<320x48xf32, #tpu.memory_space<vmem>> -> memref<80x48xf32, #tpu.memory_space<vmem>>
      %dma_wait3A_95 = arith.constant 0 : i32
      %dma_wait3A_96 = tpu.memref_slice %arg7[%scan3A_89, %dma_wait3A_95] : memref<125x80xi32, #tpu.memory_space<vmem>> -> memref<1x80xi32, #tpu.memory_space<vmem>>
      %dma_wait3A_97 = tpu.memref_squeeze %dma_wait3A_96 : memref<1x80xi32, #tpu.memory_space<vmem>> -> memref<80xi32, #tpu.memory_space<vmem>>
      %dma_wait3A_98 = arith.constant 0 : i32
      %dma_wait3A_99 = arith.constant 0 : i32
      %dma_wait3A_100 = tpu.memref_slice %arg2[%dma_wait3A_98, %dma_wait3A_99] : memref<30720x48xf32, #tpu.memory_space<hbm>> -> memref<30720x48xf32, #tpu.memory_space<hbm>>
      %dma_wait3A_101 = tpu.memref_slice %arg11[%rem3A_90] : memref<4x!tpu.dma_semaphore, #tpu.memory_space<semaphore_mem>> -> memref<1x!tpu.dma_semaphore, #tpu.memory_space<semaphore_mem>>
      %dma_wait3A_102 = tpu.memref_squeeze %dma_wait3A_101 : memref<1x!tpu.dma_semaphore, #tpu.memory_space<semaphore_mem>> -> memref<!tpu.dma_semaphore, #tpu.memory_space<semaphore_mem>>
      tpu.wait_indirect_dma semaphore(%dma_wait3A_102 : memref<!tpu.dma_semaphore, #tpu.memory_space<semaphore_mem>>) src(%dma_wait3A_100 : memref<30720x48xf32, #tpu.memory_space<hbm>>) dst(%dma_wait3A_94 : memref<80x48xf32, #tpu.memory_space<vmem>>)
      %mul3A_103 = arith.constant 80 : i32
      %mul3A_104 = arith.muli %rem3A_90, %mul3A_103 : i32
      %dma_start3A_105 = arith.constant 0 : i32
      %dma_start3A_106 = tpu.memref_slice %arg9[%mul3A_104, %dma_start3A_105] : memref<320x48xf32, #tpu.memory_space<vmem>> -> memref<80x48xf32, #tpu.memory_space<vmem>>
      %dma_start3A_107 = arith.constant 0 : i32
      %dma_start3A_108 = tpu.memref_slice %arg8[%scan3A_89, %dma_start3A_107] : memref<125x80xi32, #tpu.memory_space<vmem>> -> memref<1x80xi32, #tpu.memory_space<vmem>>
      %dma_start3A_109 = tpu.memref_squeeze %dma_start3A_108 : memref<1x80xi32, #tpu.memory_space<vmem>> -> memref<80xi32, #tpu.memory_space<vmem>>
      %dma_start3A_110 = arith.constant 0 : i32
      %dma_start3A_111 = arith.constant 0 : i32
      %dma_start3A_112 = tpu.memref_slice %arg10[%dma_start3A_110, %dma_start3A_111] : memref<30720x48xf32, #tpu.memory_space<vmem_shared>> -> memref<30720x48xf32, #tpu.memory_space<vmem_shared>>
      %dma_start3A_113 = tpu.memref_slice %arg12[%rem3A_90] : memref<4x!tpu.dma_semaphore, #tpu.memory_space<semaphore_mem>> -> memref<1x!tpu.dma_semaphore, #tpu.memory_space<semaphore_mem>>
      %dma_start3A_114 = tpu.memref_squeeze %dma_start3A_113 : memref<1x!tpu.dma_semaphore, #tpu.memory_space<semaphore_mem>> -> memref<!tpu.dma_semaphore, #tpu.memory_space<semaphore_mem>>
      tpu.enqueue_indirect_dma source(%dma_start3A_106 : memref<80x48xf32, #tpu.memory_space<vmem>>) target(%dma_start3A_112 : memref<30720x48xf32, #tpu.memory_space<vmem_shared>>) offsets(%dma_start3A_109 : memref<80xi32, #tpu.memory_space<vmem>>) semaphore(%dma_start3A_114 : memref<!tpu.dma_semaphore, #tpu.memory_space<semaphore_mem>>) {add = true}
      %add3A_115 = arith.constant 2 : i32
      %add3A_116 = arith.addi %scan3A_89, %add3A_115 : i32
      %rem3A_117 = arith.constant 4 : i32
      %rem3A_118 = arith.remsi %add3A_116, %rem3A_117 : i32
      %ge3A = arith.constant 2 : i32
      %ge3A_119 = arith.cmpi sge, %scan3A_89, %ge3A : i32
      %convert_element_type3A_120 = arith.extui %ge3A_119 : i1 to i32
      %cond3A_121 = arith.constant 0 : i32
      %cond3A_122 = arith.cmpi ne, %convert_element_type3A_120, %cond3A_121 : i32
      scf.if %cond3A_122 {
        %sub3A = arith.constant 2 : i32
        %sub3A_129 = arith.subi %scan3A_89, %sub3A : i32
        %mul3A_130 = arith.constant 80 : i32
        %mul3A_131 = arith.muli %rem3A_118, %mul3A_130 : i32
        %dma_wait3A_132 = arith.constant 0 : i32
        %dma_wait3A_133 = tpu.memref_slice %arg9[%mul3A_131, %dma_wait3A_132] : memref<320x48xf32, #tpu.memory_space<vmem>> -> memref<80x48xf32, #tpu.memory_space<vmem>>
        %dma_wait3A_134 = arith.constant 0 : i32
        %dma_wait3A_135 = tpu.memref_slice %arg8[%sub3A_129, %dma_wait3A_134] : memref<125x80xi32, #tpu.memory_space<vmem>> -> memref<1x80xi32, #tpu.memory_space<vmem>>
        %dma_wait3A_136 = tpu.memref_squeeze %dma_wait3A_135 : memref<1x80xi32, #tpu.memory_space<vmem>> -> memref<80xi32, #tpu.memory_space<vmem>>
        %dma_wait3A_137 = arith.constant 0 : i32
        %dma_wait3A_138 = arith.constant 0 : i32
        %dma_wait3A_139 = tpu.memref_slice %arg10[%dma_wait3A_137, %dma_wait3A_138] : memref<30720x48xf32, #tpu.memory_space<vmem_shared>> -> memref<30720x48xf32, #tpu.memory_space<vmem_shared>>
        %dma_wait3A_140 = tpu.memref_slice %arg12[%rem3A_118] : memref<4x!tpu.dma_semaphore, #tpu.memory_space<semaphore_mem>> -> memref<1x!tpu.dma_semaphore, #tpu.memory_space<semaphore_mem>>
        %dma_wait3A_141 = tpu.memref_squeeze %dma_wait3A_140 : memref<1x!tpu.dma_semaphore, #tpu.memory_space<semaphore_mem>> -> memref<!tpu.dma_semaphore, #tpu.memory_space<semaphore_mem>>
        tpu.wait_indirect_dma semaphore(%dma_wait3A_141 : memref<!tpu.dma_semaphore, #tpu.memory_space<semaphore_mem>>) src(%dma_wait3A_133 : memref<80x48xf32, #tpu.memory_space<vmem>>) dst(%dma_wait3A_139 : memref<30720x48xf32, #tpu.memory_space<vmem_shared>>)
      } else {
      }
      %add3A_123 = arith.constant 2 : i32
      %add3A_124 = arith.addi %scan3A_89, %add3A_123 : i32
      %lt3A = arith.constant 125 : i32
      %lt3A_125 = arith.cmpi slt, %add3A_124, %lt3A : i32
      %convert_element_type3A_126 = arith.extui %lt3A_125 : i1 to i32
      %cond3A_127 = arith.constant 0 : i32
      %cond3A_128 = arith.cmpi ne, %convert_element_type3A_126, %cond3A_127 : i32
      scf.if %cond3A_128 {
        %add3A_129 = arith.constant 2 : i32
        %add3A_130 = arith.addi %scan3A_89, %add3A_129 : i32
        %mul3A_131 = arith.constant 80 : i32
        %mul3A_132 = arith.muli %rem3A_118, %mul3A_131 : i32
        %dma_start3A_133 = arith.constant 0 : i32
        %dma_start3A_134 = tpu.memref_slice %arg9[%mul3A_132, %dma_start3A_133] : memref<320x48xf32, #tpu.memory_space<vmem>> -> memref<80x48xf32, #tpu.memory_space<vmem>>
        %dma_start3A_135 = arith.constant 0 : i32
        %dma_start3A_136 = tpu.memref_slice %arg7[%add3A_130, %dma_start3A_135] : memref<125x80xi32, #tpu.memory_space<vmem>> -> memref<1x80xi32, #tpu.memory_space<vmem>>
        %dma_start3A_137 = tpu.memref_squeeze %dma_start3A_136 : memref<1x80xi32, #tpu.memory_space<vmem>> -> memref<80xi32, #tpu.memory_space<vmem>>
        %dma_start3A_138 = arith.constant 0 : i32
        %dma_start3A_139 = arith.constant 0 : i32
        %dma_start3A_140 = tpu.memref_slice %arg2[%dma_start3A_138, %dma_start3A_139] : memref<30720x48xf32, #tpu.memory_space<hbm>> -> memref<30720x48xf32, #tpu.memory_space<hbm>>
        %dma_start3A_141 = tpu.memref_slice %arg11[%rem3A_118] : memref<4x!tpu.dma_semaphore, #tpu.memory_space<semaphore_mem>> -> memref<1x!tpu.dma_semaphore, #tpu.memory_space<semaphore_mem>>
        %dma_start3A_142 = tpu.memref_squeeze %dma_start3A_141 : memref<1x!tpu.dma_semaphore, #tpu.memory_space<semaphore_mem>> -> memref<!tpu.dma_semaphore, #tpu.memory_space<semaphore_mem>>
        tpu.enqueue_indirect_dma source(%dma_start3A_140 : memref<30720x48xf32, #tpu.memory_space<hbm>>) target(%dma_start3A_134 : memref<80x48xf32, #tpu.memory_space<vmem>>) offsets(%dma_start3A_137 : memref<80xi32, #tpu.memory_space<vmem>>) semaphore(%dma_start3A_142 : memref<!tpu.dma_semaphore, #tpu.memory_space<semaphore_mem>>)
      } else {
      }
    }
    %scan3A_74 = arith.constant 125 : i32
    %scan3A_75 = arith.constant 0 : i32
    %scan3A_76 = arith.constant 123 : i32
    %scan3A_77 = arith.constant 2 : i32
    %scan3A_78 = arith.addi %scan3A_76, %scan3A_77 : i32
    %scan3A_79 = arith.constant 1 : i32
    scf.for %scan3A_89 = %scan3A_76 to %scan3A_78 step %scan3A_79  : i32 {
      %rem3A = arith.constant 4 : i32
      %rem3A_90 = arith.remsi %scan3A_89, %rem3A : i32
      %mul3A_91 = arith.constant 80 : i32
      %mul3A_92 = arith.muli %rem3A_90, %mul3A_91 : i32
      %dma_wait3A_93 = arith.constant 0 : i32
      %dma_wait3A_94 = tpu.memref_slice %arg9[%mul3A_92, %dma_wait3A_93] : memref<320x48xf32, #tpu.memory_space<vmem>> -> memref<80x48xf32, #tpu.memory_space<vmem>>
      %dma_wait3A_95 = arith.constant 0 : i32
      %dma_wait3A_96 = tpu.memref_slice %arg8[%scan3A_89, %dma_wait3A_95] : memref<125x80xi32, #tpu.memory_space<vmem>> -> memref<1x80xi32, #tpu.memory_space<vmem>>
      %dma_wait3A_97 = tpu.memref_squeeze %dma_wait3A_96 : memref<1x80xi32, #tpu.memory_space<vmem>> -> memref<80xi32, #tpu.memory_space<vmem>>
      %dma_wait3A_98 = arith.constant 0 : i32
      %dma_wait3A_99 = arith.constant 0 : i32
      %dma_wait3A_100 = tpu.memref_slice %arg10[%dma_wait3A_98, %dma_wait3A_99] : memref<30720x48xf32, #tpu.memory_space<vmem_shared>> -> memref<30720x48xf32, #tpu.memory_space<vmem_shared>>
      %dma_wait3A_101 = tpu.memref_slice %arg12[%rem3A_90] : memref<4x!tpu.dma_semaphore, #tpu.memory_space<semaphore_mem>> -> memref<1x!tpu.dma_semaphore, #tpu.memory_space<semaphore_mem>>
      %dma_wait3A_102 = tpu.memref_squeeze %dma_wait3A_101 : memref<1x!tpu.dma_semaphore, #tpu.memory_space<semaphore_mem>> -> memref<!tpu.dma_semaphore, #tpu.memory_space<semaphore_mem>>
      tpu.wait_indirect_dma semaphore(%dma_wait3A_102 : memref<!tpu.dma_semaphore, #tpu.memory_space<semaphore_mem>>) src(%dma_wait3A_94 : memref<80x48xf32, #tpu.memory_space<vmem>>) dst(%dma_wait3A_100 : memref<30720x48xf32, #tpu.memory_space<vmem_shared>>)
    }
    %scan3A_80 = arith.constant 2 : i32
    %barrier3A_81 = arith.constant 0 : index
    tpu.barrier barrier_id(%barrier3A_81)
    %eq3A = arith.constant 0 : i32
    %eq3A_82 = arith.cmpi eq, %arg0, %eq3A : i32
    %convert_element_type3A = arith.extui %eq3A_82 : i1 to i32
    %cond3A = arith.constant 0 : i32
    %cond3A_83 = arith.cmpi ne, %convert_element_type3A, %cond3A : i32
    scf.if %cond3A_83 {
      %scan3A_89 = arith.constant 0 : i32
      %scan3A_90 = arith.constant 0 : i32
      %scan3A_91 = arith.constant 16 : i32
      %scan3A_92 = arith.addi %scan3A_90, %scan3A_91 : i32
      %scan3A_93 = arith.constant 1 : i32
      scf.for %scan3A_101 = %scan3A_90 to %scan3A_92 step %scan3A_93  : i32 {
        %mul3A_102 = arith.constant 1920 : i32
        %mul3A_103 = arith.muli %arg1, %mul3A_102 : i32
        %mul3A_104 = arith.constant 120 : i32
        %mul3A_105 = arith.muli %scan3A_101, %mul3A_104 : i32
        %add3A_106 = arith.addi %mul3A_103, %mul3A_105 : i32
        %dma_start3A_107 = arith.constant 0 : i32
        %dma_start3A_108 = tpu.memref_slice %arg5[%add3A_106, %dma_start3A_107] : memref<30720x48xf32, #tpu.memory_space<hbm>> -> memref<120x48xf32, #tpu.memory_space<hbm>>
        %dma_start3A_109 = arith.constant 0 : i32
        %dma_start3A_110 = tpu.memref_slice %arg10[%add3A_106, %dma_start3A_109] : memref<30720x48xf32, #tpu.memory_space<vmem_shared>> -> memref<120x48xf32, #tpu.memory_space<vmem_shared>>
        tpu.enqueue_dma source(%dma_start3A_110 : memref<120x48xf32, #tpu.memory_space<vmem_shared>>) target(%dma_start3A_108 : memref<120x48xf32, #tpu.memory_space<hbm>>) target_semaphore(%arg13 : memref<!tpu.dma_semaphore, #tpu.memory_space<semaphore_mem>>)
      }
      %scan3A_94 = arith.constant 16 : i32
      %scan3A_95 = arith.constant 0 : i32
      %scan3A_96 = arith.constant 0 : i32
      %scan3A_97 = arith.constant 16 : i32
      %scan3A_98 = arith.addi %scan3A_96, %scan3A_97 : i32
      %scan3A_99 = arith.constant 1 : i32
      scf.for %scan3A_101 = %scan3A_96 to %scan3A_98 step %scan3A_99  : i32 {
        %mul3A_102 = arith.constant 1920 : i32
        %mul3A_103 = arith.muli %arg1, %mul3A_102 : i32
        %mul3A_104 = arith.constant 120 : i32
        %mul3A_105 = arith.muli %scan3A_101, %mul3A_104 : i32
        %add3A_106 = arith.addi %mul3A_103, %mul3A_105 : i32
        %dma_wait3A_107 = arith.constant 0 : i32
        %dma_wait3A_108 = tpu.memref_slice %arg5[%add3A_106, %dma_wait3A_107] : memref<30720x48xf32, #tpu.memory_space<hbm>> -> memref<120x48xf32, #tpu.memory_space<hbm>>
        %dma_wait3A_109 = arith.constant 0 : i32
        %dma_wait3A_110 = tpu.memref_slice %arg10[%add3A_106, %dma_wait3A_109] : memref<30720x48xf32, #tpu.memory_space<vmem_shared>> -> memref<120x48xf32, #tpu.memory_space<vmem_shared>>
        tpu.wait_dma2 semaphore(%arg13 : memref<!tpu.dma_semaphore, #tpu.memory_space<semaphore_mem>>) src(%dma_wait3A_110 : memref<120x48xf32, #tpu.memory_space<vmem_shared>>) dst(%dma_wait3A_108 : memref<120x48xf32, #tpu.memory_space<hbm>>)
      }
      %scan3A_100 = arith.constant 16 : i32
    } else {
    }
    %eq3A_84 = arith.constant 1 : i32
    %eq3A_85 = arith.cmpi eq, %arg0, %eq3A_84 : i32
    %convert_element_type3A_86 = arith.extui %eq3A_85 : i1 to i32
    %cond3A_87 = arith.constant 0 : i32
    %cond3A_88 = arith.cmpi ne, %convert_element_type3A_86, %cond3A_87 : i32
    scf.if %cond3A_88 {
      %scan3A_89 = arith.constant 0 : i32
      %scan3A_90 = arith.constant 0 : i32
      %scan3A_91 = arith.constant 16 : i32
      %scan3A_92 = arith.addi %scan3A_90, %scan3A_91 : i32
      %scan3A_93 = arith.constant 1 : i32
      scf.for %scan3A_101 = %scan3A_90 to %scan3A_92 step %scan3A_93  : i32 {
        %mul3A_102 = arith.constant 1920 : i32
        %mul3A_103 = arith.muli %arg1, %mul3A_102 : i32
        %mul3A_104 = arith.constant 120 : i32
        %mul3A_105 = arith.muli %scan3A_101, %mul3A_104 : i32
        %add3A_106 = arith.addi %mul3A_103, %mul3A_105 : i32
        %dma_start3A_107 = arith.constant 0 : i32
        %dma_start3A_108 = tpu.memref_slice %arg6[%add3A_106, %dma_start3A_107] : memref<30720x48xf32, #tpu.memory_space<hbm>> -> memref<120x48xf32, #tpu.memory_space<hbm>>
        %dma_start3A_109 = arith.constant 0 : i32
        %dma_start3A_110 = tpu.memref_slice %arg10[%add3A_106, %dma_start3A_109] : memref<30720x48xf32, #tpu.memory_space<vmem_shared>> -> memref<120x48xf32, #tpu.memory_space<vmem_shared>>
        tpu.enqueue_dma source(%dma_start3A_110 : memref<120x48xf32, #tpu.memory_space<vmem_shared>>) target(%dma_start3A_108 : memref<120x48xf32, #tpu.memory_space<hbm>>) target_semaphore(%arg13 : memref<!tpu.dma_semaphore, #tpu.memory_space<semaphore_mem>>)
      }
      %scan3A_94 = arith.constant 16 : i32
      %scan3A_95 = arith.constant 0 : i32
      %scan3A_96 = arith.constant 0 : i32
      %scan3A_97 = arith.constant 16 : i32
      %scan3A_98 = arith.addi %scan3A_96, %scan3A_97 : i32
      %scan3A_99 = arith.constant 1 : i32
      scf.for %scan3A_101 = %scan3A_96 to %scan3A_98 step %scan3A_99  : i32 {
        %mul3A_102 = arith.constant 1920 : i32
        %mul3A_103 = arith.muli %arg1, %mul3A_102 : i32
        %mul3A_104 = arith.constant 120 : i32
        %mul3A_105 = arith.muli %scan3A_101, %mul3A_104 : i32
        %add3A_106 = arith.addi %mul3A_103, %mul3A_105 : i32
        %dma_wait3A_107 = arith.constant 0 : i32
        %dma_wait3A_108 = tpu.memref_slice %arg6[%add3A_106, %dma_wait3A_107] : memref<30720x48xf32, #tpu.memory_space<hbm>> -> memref<120x48xf32, #tpu.memory_space<hbm>>
        %dma_wait3A_109 = arith.constant 0 : i32
        %dma_wait3A_110 = tpu.memref_slice %arg10[%add3A_106, %dma_wait3A_109] : memref<30720x48xf32, #tpu.memory_space<vmem_shared>> -> memref<120x48xf32, #tpu.memory_space<vmem_shared>>
        tpu.wait_dma2 semaphore(%arg13 : memref<!tpu.dma_semaphore, #tpu.memory_space<semaphore_mem>>) src(%dma_wait3A_110 : memref<120x48xf32, #tpu.memory_space<vmem_shared>>) dst(%dma_wait3A_108 : memref<120x48xf32, #tpu.memory_space<hbm>>)
      }
      %scan3A_100 = arith.constant 16 : i32
    } else {
    }
    return
  }
}

module attributes {stable_mosaic.version = 14 : i64} {
  func.func @_proj_body(%arg0: i32, %arg1: memref<1280x128xf32, #tpu.memory_space<vmem>>, %arg2: memref<128x144xf32, #tpu.memory_space<vmem>>, %arg3: memref<1280x144xf32, #tpu.memory_space<vmem>>) attributes {dimension_semantics = [#tpu.dimension_semantics<arbitrary>], iteration_bounds = array<i64: 8>, scalar_prefetch = 0 : i64, scratch_operands = 0 : i64, tpu.core_type = #tpu.core_type<tc>, window_params = [{transform_indices = @transform_0, window_bounds = array<i64: 1280, 128>}, {pipeline_mode = #tpu.pipeline_mode<synchronous>, transform_indices = @transform_1, window_bounds = array<i64: 128, 144>}, {transform_indices = @transform_2, window_bounds = array<i64: 1280, 144>}]} {
    %get3A = arith.constant 0 : index
    %get3A_0 = arith.constant 0 : index
    %get3A_1 = vector.load %arg1[%get3A, %get3A_0] : memref<1280x128xf32, #tpu.memory_space<vmem>>, vector<1280x128xf32>
    %get3A_2 = arith.constant 0 : index
    %get3A_3 = arith.constant 0 : index
    %get3A_4 = vector.load %arg2[%get3A_2, %get3A_3] : memref<128x144xf32, #tpu.memory_space<vmem>>, vector<128x144xf32>
    %dot_general3A = arith.constant dense<0.000000e+00> : vector<1280x144xf32>
    %dot_general3A_5 = tpu.matmul %get3A_1, %get3A_4, %dot_general3A {dimension_numbers = #tpu.dot_dimension_numbers<[1], [0], [0], [1], [0, 0, 1, 1], [], []>, transpose_lhs_hint = false} : vector<1280x128xf32>, vector<128x144xf32>, vector<1280x144xf32> -> vector<1280x144xf32>
    %swap3A = arith.constant 0 : index
    %swap3A_6 = arith.constant 0 : index
    %swap3A_7 = vector.load %arg3[%swap3A, %swap3A_6] : memref<1280x144xf32, #tpu.memory_space<vmem>>, vector<1280x144xf32>
    tpu.vector_store %arg3[%swap3A, %swap3A_6], %dot_general3A_5 {strides = array<i32>} : memref<1280x144xf32, #tpu.memory_space<vmem>>, vector<1280x144xf32>,
    return
  }
  func.func @transform_0(%arg0: i32) -> (i32, i32) {
    %c0_i32 = arith.constant 0 : i32
    %c0_i32_0 = arith.constant 0 : i32
    return %arg0, %c0_i32 : i32, i32
  }
  func.func @transform_1(%arg0: i32) -> (i32, i32) {
    %c0_i32 = arith.constant 0 : i32
    %c0_i32_0 = arith.constant 0 : i32
    %c0_i32_1 = arith.constant 0 : i32
    return %c0_i32, %c0_i32_0 : i32, i32
  }
  func.func @transform_2(%arg0: i32) -> (i32, i32) {
    %c0_i32 = arith.constant 0 : i32
    %c0_i32_0 = arith.constant 0 : i32
    return %arg0, %c0_i32 : i32, i32
  }
}

module attributes {stable_mosaic.version = 14 : i64} {
  func.func @_idx_body(%arg0: i32, %arg1: memref<2x320000xi32, #tpu.memory_space<vmem>>, %arg2: memref<2500x128xi32, #tpu.memory_space<vmem>>, %arg3: memref<2500x128xi32, #tpu.memory_space<vmem>>, %arg4: memref<2500x128xi32, #tpu.memory_space<vmem>>) attributes {dimension_semantics = [#tpu.dimension_semantics<arbitrary>], iteration_bounds = array<i64: 1>, scalar_prefetch = 0 : i64, scratch_operands = 0 : i64, tpu.core_type = #tpu.core_type<tc>, window_params = [{pipeline_mode = #tpu.pipeline_mode<synchronous>, transform_indices = @transform_0, window_bounds = array<i64: 2, 320000>}, {pipeline_mode = #tpu.pipeline_mode<synchronous>, transform_indices = @transform_1, window_bounds = array<i64: 2500, 128>}, {pipeline_mode = #tpu.pipeline_mode<synchronous>, transform_indices = @transform_2, window_bounds = array<i64: 2500, 128>}, {pipeline_mode = #tpu.pipeline_mode<synchronous>, transform_indices = @transform_3, window_bounds = array<i64: 2500, 128>}]} {
    %get3A = arith.constant 0 : index
    %get3A_0 = arith.constant 0 : index
    %get3A_1 = vector.load %arg2[%get3A, %get3A_0] : memref<2500x128xi32, #tpu.memory_space<vmem>>, vector<2500x128xi32>
    %get3A_2 = arith.constant 0 : index
    %get3A_3 = arith.constant 0 : index
    %get3A_4 = vector.load %arg1[%get3A_2, %get3A_3] : memref<2x320000xi32, #tpu.memory_space<vmem>>, vector<1x320000xi32>
    %get3A_5 = vector.shape_cast %get3A_4 : vector<1x320000xi32> to vector<320000xi32>
    %reshape3A = vector.shape_cast %get3A_5 : vector<320000xi32> to vector<2500x128xi32>
    %get3A_6 = arith.constant 1 : index
    %get3A_7 = arith.constant 0 : index
    %get3A_8 = vector.load %arg1[%get3A_6, %get3A_7] : memref<2x320000xi32, #tpu.memory_space<vmem>>, vector<1x320000xi32>
    %get3A_9 = vector.shape_cast %get3A_8 : vector<1x320000xi32> to vector<320000xi32>
    %reshape3A_10 = vector.shape_cast %get3A_9 : vector<320000xi32> to vector<2500x128xi32>
    %mul3A = arith.constant 3 : i32
    %mul3A_11 = vector.broadcast %mul3A : i32 to vector<2500x128xi32>
    %mul3A_12 = arith.muli %reshape3A, %mul3A_11 : vector<2500x128xi32>
    %add3A = arith.addi %mul3A_12, %get3A_1 : vector<2500x128xi32>
    %swap3A = arith.constant 0 : index
    %swap3A_13 = arith.constant 0 : index
    %swap3A_14 = vector.load %arg3[%swap3A, %swap3A_13] : memref<2500x128xi32, #tpu.memory_space<vmem>>, vector<2500x128xi32>
    tpu.vector_store %arg3[%swap3A, %swap3A_13], %add3A {strides = array<i32>} : memref<2500x128xi32, #tpu.memory_space<vmem>>, vector<2500x128xi32>,
    %mul3A_15 = arith.constant 3 : i32
    %mul3A_16 = vector.broadcast %mul3A_15 : i32 to vector<2500x128xi32>
    %mul3A_17 = arith.muli %reshape3A_10, %mul3A_16 : vector<2500x128xi32>
    %add3A_18 = arith.addi %mul3A_17, %get3A_1 : vector<2500x128xi32>
    %swap3A_19 = arith.constant 0 : index
    %swap3A_20 = arith.constant 0 : index
    %swap3A_21 = vector.load %arg4[%swap3A_19, %swap3A_20] : memref<2500x128xi32, #tpu.memory_space<vmem>>, vector<2500x128xi32>
    tpu.vector_store %arg4[%swap3A_19, %swap3A_20], %add3A_18 {strides = array<i32>} : memref<2500x128xi32, #tpu.memory_space<vmem>>, vector<2500x128xi32>,
    return
  }
  func.func @transform_0(%arg0: i32) -> (i32, i32) {
    %c0_i32 = arith.constant 0 : i32
    %c0_i32_0 = arith.constant 0 : i32
    %c0_i32_1 = arith.constant 0 : i32
    return %c0_i32, %c0_i32_0 : i32, i32
  }
  func.func @transform_1(%arg0: i32) -> (i32, i32) {
    %c0_i32 = arith.constant 0 : i32
    %c0_i32_0 = arith.constant 0 : i32
    %c0_i32_1 = arith.constant 0 : i32
    return %c0_i32, %c0_i32_0 : i32, i32
  }
  func.func @transform_2(%arg0: i32) -> (i32, i32) {
    %c0_i32 = arith.constant 0 : i32
    %c0_i32_0 = arith.constant 0 : i32
    %c0_i32_1 = arith.constant 0 : i32
    return %c0_i32, %c0_i32_0 : i32, i32
  }
  func.func @transform_3(%arg0: i32) -> (i32, i32) {
    %c0_i32 = arith.constant 0 : i32
    %c0_i32_0 = arith.constant 0 : i32
    %c0_i32_1 = arith.constant 0 : i32
    return %c0_i32, %c0_i32_0 : i32, i32
  }
}

module attributes {stable_mosaic.version = 14 : i64} {
  func.func @_mid_body(%arg0: i32, %arg1: memref<1280x144xf32, #tpu.memory_space<vmem>>, %arg2: memref<1280x144xf32, #tpu.memory_space<vmem>>, %arg3: memref<144x144xf32, #tpu.memory_space<vmem>>, %arg4: memref<1280x144xf32, #tpu.memory_space<vmem>>) attributes {dimension_semantics = [#tpu.dimension_semantics<arbitrary>], iteration_bounds = array<i64: 8>, scalar_prefetch = 0 : i64, scratch_operands = 0 : i64, tpu.core_type = #tpu.core_type<tc>, window_params = [{transform_indices = @transform_0, window_bounds = array<i64: 1280, 144>}, {transform_indices = @transform_1, window_bounds = array<i64: 1280, 144>}, {pipeline_mode = #tpu.pipeline_mode<synchronous>, transform_indices = @transform_2, window_bounds = array<i64: 144, 144>}, {transform_indices = @transform_3, window_bounds = array<i64: 1280, 144>}]} {
    %get3A = arith.constant 0 : index
    %get3A_0 = arith.constant 0 : index
    %get3A_1 = vector.load %arg1[%get3A, %get3A_0] : memref<1280x144xf32, #tpu.memory_space<vmem>>, vector<1280x144xf32>
    %get3A_2 = arith.constant 0 : index
    %get3A_3 = arith.constant 0 : index
    %get3A_4 = vector.load %arg2[%get3A_2, %get3A_3] : memref<1280x144xf32, #tpu.memory_space<vmem>>, vector<1280x144xf32>
    %add3A = arith.addf %get3A_1, %get3A_4 : vector<1280x144xf32>
    %ge3A = arith.constant 0.000000e+00 : f32
    %ge3A_5 = vector.broadcast %ge3A : f32 to vector<1280x144xf32>
    %ge3A_6 = arith.cmpf oge, %add3A, %ge3A_5 : vector<1280x144xf32>
    %mul3A = arith.constant 0.00999999977 : f32
    %mul3A_7 = vector.broadcast %mul3A : f32 to vector<1280x144xf32>
    %mul3A_8 = arith.mulf %mul3A_7, %add3A : vector<1280x144xf32>
    %select_n3A = arith.select %ge3A_6, %add3A, %mul3A_8 : vector<1280x144xi1>, vector<1280x144xf32>
    %get3A_9 = arith.constant 0 : index
    %get3A_10 = arith.constant 0 : index
    %get3A_11 = vector.load %arg3[%get3A_9, %get3A_10] : memref<144x144xf32, #tpu.memory_space<vmem>>, vector<144x144xf32>
    %dot_general3A = arith.constant dense<0.000000e+00> : vector<1280x144xf32>
    %dot_general3A_12 = tpu.matmul %select_n3A, %get3A_11, %dot_general3A {dimension_numbers = #tpu.dot_dimension_numbers<[1], [0], [0], [1], [0, 0, 1, 1], [], []>, transpose_lhs_hint = false} : vector<1280x144xf32>, vector<144x144xf32>, vector<1280x144xf32> -> vector<1280x144xf32>
    %swap3A = arith.constant 0 : index
    %swap3A_13 = arith.constant 0 : index
    %swap3A_14 = vector.load %arg4[%swap3A, %swap3A_13] : memref<1280x144xf32, #tpu.memory_space<vmem>>, vector<1280x144xf32>
    tpu.vector_store %arg4[%swap3A, %swap3A_13], %dot_general3A_12 {strides = array<i32>} : memref<1280x144xf32, #tpu.memory_space<vmem>>, vector<1280x144xf32>,
    return
  }
  func.func @transform_0(%arg0: i32) -> (i32, i32) {
    %c0_i32 = arith.constant 0 : i32
    %c0_i32_0 = arith.constant 0 : i32
    return %arg0, %c0_i32 : i32, i32
  }
  func.func @transform_1(%arg0: i32) -> (i32, i32) {
    %c0_i32 = arith.constant 0 : i32
    %c0_i32_0 = arith.constant 0 : i32
    return %arg0, %c0_i32 : i32, i32
  }
  func.func @transform_2(%arg0: i32) -> (i32, i32) {
    %c0_i32 = arith.constant 0 : i32
    %c0_i32_0 = arith.constant 0 : i32
    %c0_i32_1 = arith.constant 0 : i32
    return %c0_i32, %c0_i32_0 : i32, i32
  }
  func.func @transform_3(%arg0: i32) -> (i32, i32) {
    %c0_i32 = arith.constant 0 : i32
    %c0_i32_0 = arith.constant 0 : i32
    return %arg0, %c0_i32 : i32, i32
  }
}

module attributes {stable_mosaic.version = 14 : i64} {
  func.func @_dec_body(%arg0: i32, %arg1: memref<2000x144xf32, #tpu.memory_space<vmem>>, %arg2: memref<2000x144xf32, #tpu.memory_space<vmem>>, %arg3: memref<144x128xf32, #tpu.memory_space<vmem>>, %arg4: memref<1x128xf32, #tpu.memory_space<vmem>>, %arg5: memref<128x128xf32, #tpu.memory_space<vmem>>, %arg6: memref<1x128xf32, #tpu.memory_space<vmem>>, %arg7: memref<2000x128xf32, #tpu.memory_space<vmem>>, %arg8: memref<1x1xf32, #tpu.memory_space<vmem>>) attributes {dimension_semantics = [#tpu.dimension_semantics<arbitrary>], iteration_bounds = array<i64: 5>, scalar_prefetch = 0 : i64, scratch_operands = 0 : i64, tpu.core_type = #tpu.core_type<tc>, window_params = [{transform_indices = @transform_0, window_bounds = array<i64: 2000, 144>}, {transform_indices = @transform_1, window_bounds = array<i64: 2000, 144>}, {pipeline_mode = #tpu.pipeline_mode<synchronous>, transform_indices = @transform_2, window_bounds = array<i64: 144, 128>}, {pipeline_mode = #tpu.pipeline_mode<synchronous>, transform_indices = @transform_3, window_bounds = array<i64: 1, 128>}, {pipeline_mode = #tpu.pipeline_mode<synchronous>, transform_indices = @transform_4, window_bounds = array<i64: 128, 128>}, {pipeline_mode = #tpu.pipeline_mode<synchronous>, transform_indices = @transform_5, window_bounds = array<i64: 1, 128>}, {transform_indices = @transform_6, window_bounds = array<i64: 2000, 128>}, {pipeline_mode = #tpu.pipeline_mode<synchronous>, transform_indices = @transform_7, window_bounds = array<i64: 1, 1>}]} {
    %get3A = arith.constant 0 : index
    %get3A_0 = arith.constant 0 : index
    %get3A_1 = vector.load %arg1[%get3A, %get3A_0] : memref<2000x144xf32, #tpu.memory_space<vmem>>, vector<2000x144xf32>
    %get3A_2 = arith.constant 0 : index
    %get3A_3 = arith.constant 0 : index
    %get3A_4 = vector.load %arg2[%get3A_2, %get3A_3] : memref<2000x144xf32, #tpu.memory_space<vmem>>, vector<2000x144xf32>
    %add3A = arith.addf %get3A_1, %get3A_4 : vector<2000x144xf32>
    %get3A_5 = arith.constant 0 : index
    %get3A_6 = arith.constant 0 : index
    %get3A_7 = vector.load %arg3[%get3A_5, %get3A_6] : memref<144x128xf32, #tpu.memory_space<vmem>>, vector<144x128xf32>
    %dot_general3A = arith.constant dense<0.000000e+00> : vector<2000x128xf32>
    %dot_general3A_8 = tpu.matmul %add3A, %get3A_7, %dot_general3A {dimension_numbers = #tpu.dot_dimension_numbers<[1], [0], [0], [1], [0, 0, 1, 1], [], []>, transpose_lhs_hint = false} : vector<2000x144xf32>, vector<144x128xf32>, vector<2000x128xf32> -> vector<2000x128xf32>
    %get3A_9 = arith.constant 0 : index
    %get3A_10 = arith.constant 0 : index
    %get3A_11 = vector.load %arg4[%get3A_9, %get3A_10] : memref<1x128xf32, #tpu.memory_space<vmem>>, vector<1x128xf32>
    %add3A_12 = vector.broadcast %get3A_11 : vector<1x128xf32> to vector<2000x128xf32>
    %add3A_13 = arith.addf %dot_general3A_8, %add3A_12 : vector<2000x128xf32>
    %max3A = arith.constant 0.000000e+00 : f32
    %max3A_14 = vector.broadcast %max3A : f32 to vector<2000x128xf32>
    %max3A_15 = arith.maximumf %add3A_13, %max3A_14 : vector<2000x128xf32>
    %get3A_16 = arith.constant 0 : index
    %get3A_17 = arith.constant 0 : index
    %get3A_18 = vector.load %arg5[%get3A_16, %get3A_17] : memref<128x128xf32, #tpu.memory_space<vmem>>, vector<128x128xf32>
    %dot_general3A_19 = arith.constant dense<0.000000e+00> : vector<2000x128xf32>
    %dot_general3A_20 = tpu.matmul %max3A_15, %get3A_18, %dot_general3A_19 {dimension_numbers = #tpu.dot_dimension_numbers<[1], [0], [0], [1], [0, 0, 1, 1], [], []>, transpose_lhs_hint = false} : vector<2000x128xf32>, vector<128x128xf32>, vector<2000x128xf32> -> vector<2000x128xf32>
    %get3A_21 = arith.constant 0 : index
    %get3A_22 = arith.constant 0 : index
    %get3A_23 = vector.load %arg6[%get3A_21, %get3A_22] : memref<1x128xf32, #tpu.memory_space<vmem>>, vector<1x128xf32>
    %add3A_24 = vector.broadcast %get3A_23 : vector<1x128xf32> to vector<2000x128xf32>
    %add3A_25 = arith.addf %dot_general3A_20, %add3A_24 : vector<2000x128xf32>
    %get3A_26 = arith.constant 0 : index
    %get3A_27 = arith.constant 0 : index
    %get3A_28 = vector.load %arg7[%get3A_26, %get3A_27] : memref<2000x128xf32, #tpu.memory_space<vmem>>, vector<2000x128xf32>
    %sub3A = arith.subf %add3A_25, %get3A_28 : vector<2000x128xf32>
    %mul3A = arith.mulf %sub3A, %sub3A : vector<2000x128xf32>
    %reduce_sum3A = vector.shape_cast %mul3A : vector<2000x128xf32> to vector<1x2000x128xf32>
    %reduce_sum3A_29 = arith.constant dense<0.000000e+00> : vector<1xf32>
    %reduce_sum3A_30 = vector.multi_reduction <add>, %reduce_sum3A, %reduce_sum3A_29 [1, 2] : vector<1x2000x128xf32> to vector<1xf32>
    %reduce_sum3A_31 = vector.shape_cast %reduce_sum3A_30 : vector<1xf32> to vector<1x1x1xf32>
    %reduce_sum3A_32 = vector.extract %reduce_sum3A_31[0, 0, 0] : f32 from vector<1x1x1xf32>
    %eq3A = arith.constant 0 : i32
    %eq3A_33 = arith.cmpi eq, %arg0, %eq3A : i32
    %convert_element_type3A = arith.extui %eq3A_33 : i1 to i32
    %cond3A = arith.constant 0 : i32
    %cond3A_34 = arith.cmpi ne, %convert_element_type3A, %cond3A : i32
    scf.if %cond3A_34 {
      %broadcast_in_dim3A_44 = arith.constant 0.000000e+00 : f32
      %broadcast_in_dim3A_45 = vector.broadcast %broadcast_in_dim3A_44 : f32 to vector<1x1xf32>
      %swap3A_46 = arith.constant 0 : index
      %swap3A_47 = arith.constant 0 : index
      %swap3A_48 = vector.load %arg8[%swap3A_46, %swap3A_47] : memref<1x1xf32, #tpu.memory_space<vmem>>, vector<1x1xf32>
      tpu.vector_store %arg8[%swap3A_46, %swap3A_47], %broadcast_in_dim3A_45 {strides = array<i32>} : memref<1x1xf32, #tpu.memory_space<vmem>>, vector<1x1xf32>,
    } else {
    }
    %get3A_35 = arith.constant 0 : index
    %get3A_36 = arith.constant 0 : index
    %get3A_37 = vector.load %arg8[%get3A_35, %get3A_36] : memref<1x1xf32, #tpu.memory_space<vmem>>, vector<1x1xf32>
    %broadcast_in_dim3A = arith.constant 1.000000e+00 : f32
    %broadcast_in_dim3A_38 = vector.broadcast %broadcast_in_dim3A : f32 to vector<1x1xf32>
    %mul3A_39 = vector.broadcast %reduce_sum3A_32 : f32 to vector<1x1xf32>
    %mul3A_40 = arith.mulf %broadcast_in_dim3A_38, %mul3A_39 : vector<1x1xf32>
    %add3A_41 = arith.addf %get3A_37, %mul3A_40 : vector<1x1xf32>
    %swap3A = arith.constant 0 : index
    %swap3A_42 = arith.constant 0 : index
    %swap3A_43 = vector.load %arg8[%swap3A, %swap3A_42] : memref<1x1xf32, #tpu.memory_space<vmem>>, vector<1x1xf32>
    tpu.vector_store %arg8[%swap3A, %swap3A_42], %add3A_41 {strides = array<i32>} : memref<1x1xf32, #tpu.memory_space<vmem>>, vector<1x1xf32>,
    return
  }
  func.func @transform_0(%arg0: i32) -> (i32, i32) {
    %c0_i32 = arith.constant 0 : i32
    %c0_i32_0 = arith.constant 0 : i32
    return %arg0, %c0_i32 : i32, i32
  }
  func.func @transform_1(%arg0: i32) -> (i32, i32) {
    %c0_i32 = arith.constant 0 : i32
    %c0_i32_0 = arith.constant 0 : i32
    return %arg0, %c0_i32 : i32, i32
  }
  func.func @transform_2(%arg0: i32) -> (i32, i32) {
    %c0_i32 = arith.constant 0 : i32
    %c0_i32_0 = arith.constant 0 : i32
    %c0_i32_1 = arith.constant 0 : i32
    return %c0_i32, %c0_i32_0 : i32, i32
  }
  func.func @transform_3(%arg0: i32) -> (i32, i32) {
    %c0_i32 = arith.constant 0 : i32
    %c0_i32_0 = arith.constant 0 : i32
    %c0_i32_1 = arith.constant 0 : i32
    return %c0_i32, %c0_i32_0 : i32, i32
  }
  func.func @transform_4(%arg0: i32) -> (i32, i32) {
    %c0_i32 = arith.constant 0 : i32
    %c0_i32_0 = arith.constant 0 : i32
    %c0_i32_1 = arith.constant 0 : i32
    return %c0_i32, %c0_i32_0 : i32, i32
  }
  func.func @transform_5(%arg0: i32) -> (i32, i32) {
    %c0_i32 = arith.constant 0 : i32
    %c0_i32_0 = arith.constant 0 : i32
    %c0_i32_1 = arith.constant 0 : i32
    return %c0_i32, %c0_i32_0 : i32, i32
  }
  func.func @transform_6(%arg0: i32) -> (i32, i32) {
    %c0_i32 = arith.constant 0 : i32
    %c0_i32_0 = arith.constant 0 : i32
    return %arg0, %c0_i32 : i32, i32
  }
  func.func @transform_7(%arg0: i32) -> (i32, i32) {
    %c0_i32 = arith.constant 0 : i32
    %c0_i32_0 = arith.constant 0 : i32
    %c0_i32_1 = arith.constant 0 : i32
    return %c0_i32, %c0_i32_0 : i32, i32
  }
}

</mosaic_0001>

<sc_bundles>
// kernel: kernel.11.cloned.1.call-start
scs
__scs_entry_jumppad:
0x0: {  	(pc) =	sbr.rel $0x88, $3  }
0x1: {  	(tag) =	ssettag $0x0;
	lr =	simm.s32 $0x1  }
0x2: {  	[smem:$0x3F98] =	sst lr;
	_ =	strace $0xD0000000  }
0x3: {  	_ = 	snop  }
0x4: {  	_ = 	snop  }
0x5: {  	_ = 	snop  }
0x6: {  	_ = 	snop  }
0x7: {  	_ = 	snop  }
__scs_overlays_trampoline_lowered:
0x8: {  	[smem:$0x3FA7] =	sst s0  }
0x9: {  	[smem:$0x3FA8] =	sst s1  }
0xa: {  	[smem:$0x3FA9] =	sst s2  }
0xb: {  	[smem:$0x3FAA] =	sst s3  }
0xc: {  	[smem:$0x3FAB] =	sst s4  }
0xd: {  	[smem:$0x3FAC] =	sst s5  }
0xe: {  	[smem:$0x3FAD] =	sst s6  }
0xf: {  	[smem:$0x3FAE] =	sst s7  }
0x10: {  	[smem:$0x3FAF] =	sst s8  }
0x11: {  	[smem:$0x3FB0] =	sst s9;
	s0 =	simm.s32 @!p0 $0x0  }
0x12: {  	s1 =	sld [smem:$0x3F96];
	s0 =	simm.s32 @p0 $0x1  }
0x13: {  	[smem:$0x3FB1] =	sst s0;
	s0 =	simm.s32 @!p1 $0x0  }
0x14: {  	s2 =	sld [smem:$0x3F95];
	s0 =	simm.s32 @p1 $0x1  }
0x15: {  	[smem:$0x3FB2] =	sst s0;
	s0 =	simm.s32 @!p2 $0x0  }
0x16: {  	s3 =	sld [smem:$0x3FDB];
	s0 =	simm.s32 @p2 $0x1  }
0x17: {  	s4 =	simm.s32 $0x1BF5;
	[smem:$0x3FB4] =	sst s0  }
0x18: {  	s0 =	sld [smem:$0x3F97];
	_ =	swait.ge [sflag:s4], $0x0  }
0x19: {  	s7 =	sld [smem:$0x3F98]  }
0x1a: {  	s8 =	sadd.s32 $0xFFFFE003, lr  }
0x1b: {  	s9 =	sadd.s32 $0xFFFFFEF7, lr;
	s5 =	simm.s32 $0xFFFFFFFF;
	p2 =	slt.u32 s8, $0xFFFFF086  }
0x1c: {  	p1 =	slt.u32 s9, $0xF7A;
	s5 =	simm.s32 @!p2 $0x0  }
0x1d: {  	s5 =	simm.s32 @p1 $0x1;
	p0 =	seq.s32 s7, s2  }
0x1e: {  	s7 =	smul.u32 @!p0 $0xF7A, s2;
	p2 =	seq.s32 @!p0 s5, $0x0  }
0x1f: {  	s9 =	smul.u32 $0xF7A, s1;
	s8 =	simm.s32 @!p0 $0x1BF5;
	p2 =	por !p2, p0  }
0x20: {  	[sflag:s8] =	ssyncset.s32 @!p0 $0xFFFFF086;
	s6 =	sadd.s32 @!p0 s3, s7;
	s7 =	simm.s32 @!p0 $0x108  }
0x21: {  	s3 =	sadd.s32 s3, s9;
	s6 =	sadd.s32 @!p0 $0x88, s6;
	s7 =	simm.s32 @p2 $0x1082  }
0x22: {  	[simem:s7], [sflag:s8] =	dma.local @!p0 [hbm:s6], $0xF7A  }
0x23: {  	s9 =	sor.u32 $0xD0000000, s2;
	s6 =	simm.s32 $0x108;
	_ =	swait.ge @!p0 [sflag:s8], $0x0  }
0x24: {  	s3 =	sadd.s32 $0x88, s3;
	s6 =	simm.s32 @!p1 $0x1082;
	[sflag:s4] =	ssyncset.s32 $0xFFFFF086  }
0x25: {  	[simem:s6], [sflag:s4] =	dma.local [hbm:s3], $0xF7A  }
0x26: {  	[smem:$0x3F98] =	sst s1;
	(tag) =	ssettag s2;
	_ =	strace s9  }
0x27: {  	s1 =	sld [smem:$0x3FA8]  }
0x28: {  	s2 =	sld [smem:$0x3FA9]  }
0x29: {  	s4 =	sld [smem:$0x3FAB]  }
0x2a: {  	p0 =	seq.s32 s5, $0x0;
	s5 =	sld [smem:$0x3FAC]  }
0x2b: {  	s6 =	sld [smem:$0x3FAD]  }
0x2c: {  	s7 =	sld [smem:$0x3FAE]  }
0x2d: {  	s3 =	simm.s32 $0x108;
	s8 =	sld [smem:$0x3FAF]  }
0x2e: {  	s3 =	simm.s32 @!p0 $0x1082;
	s9 =	sld [smem:$0x3FB0]  }
0x2f: {  	lr =	sadd.s32 s0, s3;
	s0 =	sld [smem:$0x3FA7]  }
0x30: {  	s3 =	sld [smem:$0x3FAA]  }
0x31: {  	[smem:$0x3FB3] =	sst s10  }
0x32: {  	s10 =	sld [smem:$0x3FB1];
	_ =	sdelay $0x3  }
0x33: {  	p0 =	seq.s32 s10, $0x1;
	s10 =	sld [smem:$0x3FB3];
	_ =	sdelay $0x3  }
0x34: {  	[smem:$0x3FB3] =	sst s10  }
0x35: {  	s10 =	sld [smem:$0x3FB2];
	_ =	sdelay $0x3  }
0x36: {  	p1 =	seq.s32 s10, $0x1;
	s10 =	sld [smem:$0x3FB3];
	_ =	sdelay $0x3  }
0x37: {  	[smem:$0x3FB3] =	sst s10  }
0x38: {  	s10 =	sld [smem:$0x3FB4]  }
0x39: {  	_ = 	snop;
	(pc) =	sbr.ind lr, $3  }
0x3a: {  	_ = 	snop  }
0x3b: {  	_ = 	snop  }
0x3c: {  	p2 =	seq.s32 s10, $0x1;
	s10 =	sld [smem:$0x3FB3]  }
0x3d: {  	_ =	shalt  }
0x3e: {  	_ =	shalt  }
0x3f: {  	_ =	shalt  }
0x40: {  	_ =	shalt  }
0x41: {  	_ =	shalt  }
0x42: {  	_ =	shalt  }
0x43: {  	_ =	shalt  }
0x44: {  	_ =	shalt  }
0x45: {  	_ =	shalt  }
0x46: {  	_ =	shalt  }
0x47: {  	_ =	shalt  }
0x48: {  	_ =	shalt  }
0x49: {  	_ =	shalt  }
0x4a: {  	_ =	shalt  }
0x4b: {  	_ =	shalt  }
0x4c: {  	_ =	shalt  }
0x4d: {  	_ =	shalt  }
0x4e: {  	_ =	shalt  }
0x4f: {  	_ =	shalt  }
0x50: {  	_ =	shalt  }
0x51: {  	_ =	shalt  }
0x52: {  	_ =	shalt  }
0x53: {  	_ =	shalt  }
0x54: {  	_ =	shalt  }
0x55: {  	_ =	shalt  }
0x56: {  	_ =	shalt  }
0x57: {  	_ =	shalt  }
0x58: {  	_ =	shalt  }
0x59: {  	_ =	shalt  }
0x5a: {  	_ =	shalt  }
0x5b: {  	_ =	shalt  }
0x5c: {  	_ =	shalt  }
0x5d: {  	_ =	shalt  }
0x5e: {  	_ =	shalt  }
0x5f: {  	_ =	shalt  }
0x60: {  	_ =	shalt  }
0x61: {  	_ =	shalt  }
0x62: {  	_ =	shalt  }
0x63: {  	_ =	shalt  }
0x64: {  	_ =	shalt  }
0x65: {  	_ =	shalt  }
0x66: {  	_ =	shalt  }
0x67: {  	_ =	shalt  }
0x68: {  	_ =	shalt  }
0x69: {  	_ =	shalt  }
0x6a: {  	_ =	shalt  }
0x6b: {  	_ =	shalt  }
0x6c: {  	_ =	shalt  }
0x6d: {  	_ =	shalt  }
0x6e: {  	_ =	shalt  }
0x6f: {  	_ =	shalt  }
0x70: {  	_ =	shalt  }
0x71: {  	_ =	shalt  }
0x72: {  	_ =	shalt  }
0x73: {  	_ =	shalt  }
0x74: {  	_ =	shalt  }
0x75: {  	_ =	shalt  }
0x76: {  	_ =	shalt  }
0x77: {  	_ =	shalt  }
0x78: {  	_ =	shalt  }
0x79: {  	_ =	shalt  }
0x7a: {  	_ =	shalt  }
0x7b: {  	_ =	shalt  }
0x7c: {  	_ =	shalt  }
0x7d: {  	_ =	shalt  }
0x7e: {  	_ =	shalt  }
0x7f: {  	_ =	shalt  }
0x80: {  	_ =	shalt  }
0x81: {  	_ =	shalt  }
0x82: {  	_ =	shalt  }
0x83: {  	_ =	shalt  }
0x84: {  	_ =	shalt  }
0x85: {  	_ =	shalt  }
0x86: {  	_ =	shalt  }
0x87: {  	_ =	shalt  }
.Lfunc_end0:
.L_simem_size_0:
called_computation.1_lowered:
.L_overlay_start_0:
0x88: {  	s2 =	sld [smem:$0x3FD9]  }
0x89: {  	s3 =	sld [smem:$0x3FFE];
	_ =	sdelay $0x1  }
0x8a: {  	s1 =	srdreg.scid  }
0x8b: {  	s0 =	sand.u32 $0x1, s1  }
0x8c: {  	s16 =	sshll.u32 s0, $0xA;
	s2 =	sadd.s32 s3, s2  }
0x8d: {  	s2 =	sadd.s32 s2, s16  }
0x8e: {  	[smem:$0x3FBF] =	sst s2  }
0x8f: {  	_ = 	snop  }
0x90: {  	(tm) =	ssettm $0x1  }
0x91: {  	s17 =	sld [smem:$0x3FFB];
	_ =	sdelay $0x3  }
0x92: {  	_ =	strace s17  }
0x93: {  	s2 =	sld [smem:$0x3FFC];
	_ =	sdelay $0x3  }
0x94: {  	_ =	strace s2  }
0x95: {  	s2 =	sld [smem:$0x3FFD];
	_ =	sdelay $0x3  }
0x96: {  	_ =	strace s2  }
0x97: {  	_ =	strace $0x8FFFFFFF  }
0x98: {  	s18 =	sld [smem:$0x3FDB];
	_ =	sdelay $0x1  }
0x99: {  	s19 =	simm.s32 $_scs_section_size  }
0x9a: {  	s4 =	simm.s32 $_size__tile_overlayer_lowered;
	s5 =	simm.s32 $_tile_overlayer_lowered  }
0x9b: {  	s22 =	simm.s32 $0x1BFF;
	s21 =	sshll.u32 s5, $0x1;
	s2 =	sadd.s32 s19, s18  }
0x9c: {  	s6 =	simm.s32 $0x0;
	s20 =	sshll.u32 s4, $0x1;
	s4 =	sadd.s32 s21, s2  }
0x9d: {  	[timem:s6], [sflag:s22] =	dma.local [hbm:s4], s20  }
0x9e: {  	_ =	swait.ge [sflag:s22], s20  }
0x9f: {  	s3 =	ssub.s32 $0x0, s20;
	[sflag:s22] =	ssyncset.done $0x0  }
0xa0: {  	[sflag:s22] =	ssyncadd.s32 s3;
	_ =	sdelay $0x1  }
0xa1: {  	s23 =	simm.s32 $0x1B8B  }
0xa2: {  	_ =	swait.ge [sflag:s23], $0x1  }
0xa3: {  	[sflag:s23] =	ssyncset.done $0x0  }
0xa4: {  	s25 =	simm.s32 $0x1B8E;
	s24 =	sld [smem:$0x3FFE];
	[sflag:s23] =	ssyncadd.s32 $0xFFFFFFFF  }
0xa5: {  	s26 =	simm.s32 $execute0_lowered;
	[smem:$0x3FD2] =	sst s25  }
0xa6: {  	s4 =	sshll.u32 s26, $0x1;
	_ =	strace $0x80000049;
	[dreg:$0x1] =	wrdreg $0xFFFFFFFF  }
0xa7: {  	s28 =	simm.s32 $_size_execute0_lowered;
	s2 =	sadd.s32 s2, s4;
	[dreg:$0x0] =	wrdreg $0x0  }
0xa8: {  	s4 =	sshll.u32 s28, $0x1;
	[dreg:$0x2] =	wrdreg s2  }
0xa9: {  	[dreg:$0x3] =	wrdreg s4  }
0xaa: {  	[dreg:$0x4] =	wrdreg $0xC0  }
0xab: {  	_ =	task [dreg:s6], $0x5FFFF  }
0xac: {  	[dreg:$0x1] =	wrdreg $0xFFFFFFFF  }
0xad: {  	[dreg:$0x0] =	wrdreg $0x60  }
0xae: {  	[dreg:$0x2] =	wrdreg s24  }
0xaf: {  	[dreg:$0x3] =	wrdreg $0x8A200  }
0xb0: {  	[dreg:$0x4] =	wrdreg $0x9  }
0xb1: {  	_ =	task.clear_ibuf [dreg:s6], $0x5FFFF;
	_ =	strace $0x90000049  }
0xb2: {  	s29 =	simm.s32 $0x9;
	_ =	strace $0x8000004B  }
0xb3: {  	_ =	swait.ge [sflag:s29], $0x1  }
0xb4: {  	[sflag:s29] =	ssyncadd.s32 $0xFFFFFFFF  }
0xb5: {  	_ =	strace $0x9000004B  }
0xb6: {  	_ =	sfence  }
0xb7: {  	s30 =	sld [smem:$0x0];
	_ =	sdelay $0x2  }
0xb8: {  	s31 =	sshll.u32 s1, $0xD;
	s1 =	sshrl.u32 s1, $0x2  }
0xb9: {  	s3 =	sand.u32 $0x4000, s31;
	s1 =	sadd.s32 s1, s30  }
0xba: {  	s0 =	sor.u32 s3, s0;
	s1 =	sshll.u32 s1, $0x11  }
0xbb: {  	s0 =	sor.u32 s1, s0  }
0xbc: {  	s0 =	sadd.s32 $0x8F2B, s0  }
0xbd: {  	[sflag:s0] =	ssyncadd.remote.s32 $0x1  }
0xbe: {  	_ =	sfence.sel $0xFFFF  }
0xbf: {  	[dreg:$0x0] =	wrdreg $0xFFFFFFFF;
	(pc) =	sbr.abs _section_cstart, $3  }
0xc0: {  	[dreg:$0x1] =	wrdreg $0xFFFFFFFF  }
0xc1: {  	_ =	task.clear_ibuf [dreg:s6], $0x2FFFF;
	_ =	strace $0x9FFFFFFF  }
0xc2: {  	(tm) =	ssettm $0x7FFFFFFF  }
0xc3: {  	_ =	shalt  }
tec
execute0_lowered:
.L_overlay_start_1:
0x0: {  	(tag) =	ssettag $0x1  }
0x1: {  	s0 =	srdreg.scid;
	s1 =	rddreg [dreg:$0x0]  }
0x2: {  	s8 =	stileid.u32;
	s2 =	rddreg [dreg:$0x1]  }
0x3: {  	s15 =	simm.s32 $0x2710;
	s16 =	simm.s32 $0x4E20;
	s17 =	simm.s32 $0xA  }
0x4: {  	s18 =	simm.s32 $0x9;
	s19 =	simm.s32 $0x50;
	s20 =	simm.s32 $0x5D20  }
0x5: {  	s21 =	simm.s32 $0x1;
	s29 =	simm.s32 $0x8;
	s30 =	simm.s32 $0x5  }
0x6: {  	s31 =	simm.s32 $0x0;
	s0 =	sand.u32 $0x1, s0;
	s6 =	smul.u32 $0x2D00, s8  }
0x7: {  	s3 =	sshll.u32 s0, $0x4;
	s7 =	ssub.s32 $0x2, s0;
	p0 =	seq.s32 s0, $0x1  }
0x8: {  	s4 =	sor.u32 s8, s3;
	s3 =	simm.s32 $0x0;
	s8 =	smul.u32 $0x5A000, s8  }
0x9: {  	s23 =	sshrl.u32 s7, $0x1;
	s5 =	smul.u32 $0x4E2, s4;
	[smem:$0x7FF] =	sst s3  }
0xa: {  	s4 =	sadd.s32 $0x3400, s1;
	s10 =	ssub.s32 s7, s23;
	_ =	strace $0x8000004A  }
0xb: {  	s24 =	sshrl.u32 s8, $0x2;
	s28 =	smax.u32 s10, $0x1;
	s9 =	sadd.s32 s5, s1  }
.Ltmp0:
0xc: {  	s1 =	sadd.s32 s6, s1;
	s7 =	sadd.s32 s24, s2;
	(pc) =	sbr.rel .LBB2_1-.Ltmp0, $4  }
0xd: {  	[dreg:$0x5] =	wrdreg s28;
	s24 =	simm.s32 $0x2;
	s25 =	sadd.s32 $0x30400, s9  }
0xe: {  	s26 =	sadd.s32 $0x3A200, s9;
	s9 =	sadd.s32 $0x4800, s7;
	s10 =	sadd.s32 $0x9000, s7  }
0xf: {  	s11 =	sadd.s32 $0xD800, s7;
	s12 =	sadd.s32 $0x12000, s7;
	[dreg:$0x3] =	wrdreg s25  }
0x10: {  	v0 =	vimm.f32 $0.0e+00;
	s13 =	sadd.s32 $0x44000, s1;
	s14 =	sadd.s32 $0x71000, s1;
	[dreg:$0x4] =	wrdreg s26  }
.LBB2_8:
0x11: {  	[hbm:s23], [sflag:s22] =	dma.local [spmem:s25], $0x2D0  }
.LBB2_12:
0x12: {  	_ =	swait.ge [sflag:s18], $0x2D0  }
0x13: {  	[sflag:s18] =	ssyncset.done $0x0  }
0x14: {  	[sflag:s18] =	ssyncadd.s32 $0xFFFFFD30  }
0x15: {  	_ =	swait.ge [sflag:s18], $0x2D0  }
0x16: {  	[sflag:s18] =	ssyncset.done $0x0  }
0x17: {  	[sflag:s18] =	ssyncadd.s32 $0xFFFFFD30  }
0x18: {  	_ =	swait.ge [sflag:s18], $0x2D0  }
0x19: {  	[sflag:s18] =	ssyncset.done $0x0  }
0x1a: {  	[sflag:s18] =	ssyncadd.s32 $0xFFFFFD30  }
0x1b: {  	_ =	swait.ge [sflag:s18], $0x2D0  }
0x1c: {  	[sflag:s18] =	ssyncset.done $0x0  }
0x1d: {  	[sflag:s18] =	ssyncadd.s32 $0xFFFFFD30  }
0x1e: {  	_ =	swait.ge [sflag:s18], $0x2D0  }
0x1f: {  	[sflag:s18] =	ssyncset.done $0x0  }
0x20: {  	[sflag:s18] =	ssyncadd.s32 $0xFFFFFD30  }
0x21: {  	_ =	swait.ge [sflag:s18], $0x2D0  }
0x22: {  	[sflag:s18] =	ssyncset.done $0x0  }
0x23: {  	[sflag:s18] =	ssyncadd.s32 $0xFFFFFD30  }
0x24: {  	_ =	swait.ge [sflag:s18], $0x2D0  }
0x25: {  	[sflag:s18] =	ssyncset.done $0x0  }
0x26: {  	[sflag:s18] =	ssyncadd.s32 $0xFFFFFD30  }
0x27: {  	_ =	swait.ge [sflag:s18], $0x2D0  }
0x28: {  	[sflag:s18] =	ssyncset.done $0x0  }
0x29: {  	[sflag:s18] =	ssyncadd.s32 $0xFFFFFD30  }
0x2a: {  	_ =	swait.ge [sflag:s18], $0x2D0  }
0x2b: {  	[sflag:s18] =	ssyncset.done $0x0  }
0x2c: {  	[sflag:s18] =	ssyncadd.s32 $0xFFFFFD30  }
0x2d: {  	_ =	swait.ge [sflag:s18], $0x2D0  }
0x2e: {  	[sflag:s18] =	ssyncset.done $0x0  }
0x2f: {  	[sflag:s18] =	ssyncadd.s32 $0xFFFFFD30  }
0x30: {  	_ =	swait.ge [sflag:s18], $0x2D0  }
0x31: {  	[sflag:s18] =	ssyncset.done $0x0  }
0x32: {  	[sflag:s18] =	ssyncadd.s32 $0xFFFFFD30  }
0x33: {  	_ =	swait.ge [sflag:s18], $0x2D0  }
0x34: {  	[sflag:s18] =	ssyncset.done $0x0  }
0x35: {  	[sflag:s18] =	ssyncadd.s32 $0xFFFFFD30  }
0x36: {  	_ =	swait.ge [sflag:s18], $0x2D0  }
0x37: {  	[sflag:s18] =	ssyncset.done $0x0  }
0x38: {  	[sflag:s18] =	ssyncadd.s32 $0xFFFFFD30  }
0x39: {  	_ =	swait.ge [sflag:s18], $0x2D0  }
0x3a: {  	[sflag:s18] =	ssyncset.done $0x0  }
0x3b: {  	[sflag:s18] =	ssyncadd.s32 $0xFFFFFD30  }
0x3c: {  	_ =	swait.ge [sflag:s18], $0x2D0  }
0x3d: {  	[sflag:s18] =	ssyncset.done $0x0  }
0x3e: {  	[sflag:s18] =	ssyncadd.s32 $0xFFFFFD30  }
0x3f: {  	_ =	swait.ge [sflag:s18], $0x2D0  }
0x40: {  	s31 =	sadd.s32 $0x1, s31;
	s0 =	rddreg [dreg:$0x5]  }
0x41: {  	p1 =	sne.s32 s31, s0  }
.Ltmp1:
0x42: {  	_ = 	snop;
	(pc) =	sbr.rel @!p1 .LBB2_13-.Ltmp1, $3  }
0x43: {  	_ =	sdelay $0x1  }
0x44: {  	[sflag:s18] =	ssyncset.done $0x0  }
0x45: {  	[sflag:s18] =	ssyncadd.s32 $0xFFFFFD30  }
.LBB2_1:
0x46: {  	s0 =	rddreg [dreg:$0x3]  }
0x47: {  	[tilespmem:s3], [sflag:$0x9] =	stream.linear.gather [hbm4b:s0+s3], $0x2710, $0x38;
	[tilespmem:$0x1F220] =	vst v63  }
0x48: {  	s28 =	rddreg [dreg:$0x4];
	s1 =	simm.s32 $0x0;
	s0 =	simm.s32 $0xC0  }
0x49: {  	[tilespmem:s15], [sflag:$0x9] =	stream.linear.gather [hbm4b:s28+s3], $0x2710, $0x38;
	[tilespmem:$0x1F220] =	vst v63  }
.LBB2_2:
0x4a: {  	p1 =	sne.s32 s0, $0x11F40;
	[tilespmem:s1+$0x4E40] =	vst v0;
	s22 =	smov.u32 s0;
	s0 =	sadd.s32 $0xC0, s0  }
.Ltmp2:
0x4b: {  	[tilespmem:s1+$0x4E20] =	vst v0;
	(pc) =	sbr.rel @p1 .LBB2_2-.Ltmp2, $2  }
0x4c: {  	[tilespmem:s1+$0x4E30] =	vst v0;
	_ =	sdelay $0x2  }
0x4d: {  	s1 =	sshra.s32 s22, $0x2  }
0x4e: {  	[tilespmem:s1+$0x4E40] =	vst v0  }
0x4f: {  	[tilespmem:s1+$0x4E20] =	vst v0  }
0x50: {  	[tilespmem:s1+$0x4E30] =	vst v0  }
0x51: {  	[spmem:s7] =	stream.linear.scatter [tilespmem:s16], [sflag:$0xA], $0x4800, $0x38;
	[tilespmem:$0x1F220] =	vst v63  }
0x52: {  	_ =	swait.ge [sflag:s17], $0x4800  }
0x53: {  	[sflag:s17] =	ssyncset.done $0x0  }
0x54: {  	[sflag:s17] =	ssyncadd.s32 $0xFFFFB800  }
0x55: {  	[spmem:s9] =	stream.linear.scatter [tilespmem:s16], [sflag:$0xA], $0x4800, $0x38;
	[tilespmem:$0x1F220] =	vst v63  }
0x56: {  	_ =	swait.ge [sflag:s17], $0x4800  }
0x57: {  	[sflag:s17] =	ssyncset.done $0x0  }
0x58: {  	[sflag:s17] =	ssyncadd.s32 $0xFFFFB800  }
0x59: {  	[spmem:s10] =	stream.linear.scatter [tilespmem:s16], [sflag:$0xA], $0x4800, $0x38;
	[tilespmem:$0x1F220] =	vst v63  }
0x5a: {  	_ =	swait.ge [sflag:s17], $0x4800  }
0x5b: {  	[sflag:s17] =	ssyncset.done $0x0  }
0x5c: {  	[sflag:s17] =	ssyncadd.s32 $0xFFFFB800  }
0x5d: {  	[spmem:s11] =	stream.linear.scatter [tilespmem:s16], [sflag:$0xA], $0x4800, $0x38;
	[tilespmem:$0x1F220] =	vst v63  }
0x5e: {  	_ =	swait.ge [sflag:s17], $0x4800  }
0x5f: {  	[sflag:s17] =	ssyncset.done $0x0  }
0x60: {  	[sflag:s17] =	ssyncadd.s32 $0xFFFFB800  }
0x61: {  	[spmem:s12] =	stream.linear.scatter [tilespmem:s16], [sflag:$0xA], $0x4800, $0x38;
	[tilespmem:$0x1F220] =	vst v63  }
0x62: {  	_ =	swait.ge [sflag:s17], $0x4800  }
0x63: {  	[sflag:s17] =	ssyncset.done $0x0  }
0x64: {  	[sflag:s17] =	ssyncadd.s32 $0xFFFFB800  }
0x65: {  	_ =	swait.ge [sflag:s18], $0x2710  }
0x66: {  	[sflag:s18] =	ssyncset.done $0x0  }
0x67: {  	[sflag:s18] =	ssyncadd.s32 $0xFFFFD8F0  }
0x68: {  	_ =	swait.ge [sflag:s18], $0x2710  }
0x69: {  	[sflag:s18] =	ssyncset.done $0x0  }
0x6a: {  	[sflag:s18] =	ssyncadd.s32 $0xFFFFD8F0  }
0x6b: {  	[tilespmem:s16], [sflag:$0x1] =	stream.indirect.gather [hbm4b:s4+s19], $0x30, s3, s19, $0xb8;
	[tilespmem:$0x1F220] =	vst v63  }
0x6c: {  	_ = 	snop  }
0x6d: {  	[tilespmem:s20], [sflag:$0x2] =	stream.indirect.gather [hbm4b:s4+s19], $0x30, s19, s19, $0xb8;
	[tilespmem:$0x1F220] =	vst v63  }
0x6e: {  	[bflag:$0x0] =	sbarrier.arrive $0xFFFF  }
0x6f: {  	_ =	swait.ge [sflag:s21], $0xF00  }
0x70: {  	[sflag:s21] =	ssyncset.done $0x0  }
0x71: {  	[sflag:s21] =	ssyncadd.s32 $0xFFFFF100  }
0x72: {  	[spmem:s2] =	stream.indirect.scatter.add.f32 [tilespmem:s16], [sflag:$0x5], $0x30, s15, s19, $0xb8;
	[tilespmem:$0x1F220] =	vst v63  }
0x73: {  	s0 =	simm.s32 $0xA0;
	s22 =	simm.s32 $0x6C20  }
0x74: {  	[tilespmem:s22], [sflag:$0x3] =	stream.indirect.gather [hbm4b:s4+s19], $0x30, s0, s19, $0xb8;
	[tilespmem:$0x1F220] =	vst v63  }
0x75: {  	_ =	swait.ge [sflag:s24], $0xF00  }
0x76: {  	s23 =	simm.s32 $0x2760;
	[sflag:s24] =	ssyncset.done $0x0  }
0x77: {  	s25 =	simm.s32 $0xF0;
	s5 =	simm.s32 $0x2;
	[sflag:s24] =	ssyncadd.s32 $0xFFFFF100  }
0x78: {  	[spmem:s2] =	stream.indirect.scatter.add.f32 [tilespmem:s20], [sflag:$0x6], $0x30, s23, s19, $0xb8;
	[tilespmem:$0x1F220] =	vst v63  }
0x79: {  	s26 =	simm.s32 $0x7B20;
	s6 =	simm.s32 $0x4;
	s0 =	sand.u32 $0x3, s5  }
0x7a: {  	[tilespmem:s26], [sflag:$0x4] =	stream.indirect.gather [hbm4b:s4+s19], $0x30, s25, s19, $0xb8;
	[tilespmem:$0x1F220] =	vst v63  }
0x7b: {  	p1 =	por $0x0, $0x0;
	s23 =	smul.u32 $0x3C00, s0;
	s25 =	sadd.s32 $0x1, s0  }
0x7c: {  	s22 =	simm.s32 $0x27B0;
	s26 =	sand.u32 $0x3, s6;
	_ =	swait.ge [sflag:s25], $0xF00  }
0x7d: {  	s0 =	sadd.s32 $0x5, s0;
	s8 =	sshrl.u32 s23, $0x2;
	[sflag:s25] =	ssyncset.done $0x0  }
0x7e: {  	s23 =	smul.u32 @!p1 $0x3C00, s26;
	s1 =	sadd.s32 $0x4E20, s8;
	[sflag:s25] =	ssyncadd.s32 $0xFFFFF100  }
0x7f: {  	[spmem:s2] =	stream.indirect.scatter.add.f32 [tilespmem:s1], [sflag:s0], $0x30, s22, s19, $0xb8;
	[tilespmem:$0x1F220] =	vst v63  }
0x80: {  	s28 =	sadd.s32 $0x5, s26;
	s25 =	sadd.s32 @!p1 $0x1, s26;
	s1 =	simm.s32 $0x140  }
0x81: {  	s0 =	simm.s32 $0x5;
	s22 =	sshrl.u32 @!p1 s23, $0x2;
	_ =	swait.ge [sflag:s28], $0xF00  }
0x82: {  	s23 =	simm.s32 $0x190;
	s26 =	sadd.s32 @!p1 $0x4E20, s22;
	[sflag:s28] =	ssyncset.done $0x0  }
0x83: {  	s22 =	simm.s32 $0x2800;
	[sflag:s28] =	ssyncadd.s32 $0xFFFFF100;
	s28 =	simm.s32 @!p1 $0x50  }
.LBB2_4:
0x84: {  	[tilespmem:s26], [sflag:s25] =	stream.indirect.gather @!p1 [hbm4b:s4+s28], $0x30, s1, s28, $0xb8;
	[tilespmem:$0x1F220] =	vst v63  }
0x85: {  	s25 =	smov.u32 s0;
	s1 =	smov.u32 s23  }
0x86: {  	s0 =	sadd.s32 $0x1, s0;
	s26 =	sadd.s32 $0xFFFFFFFE, s25  }
0x87: {  	s25 =	sand.u32 $0x3, s25;
	p2 =	sne.s32 s0, $0x7F;
	s28 =	sand.u32 $0x3, s26  }
0x88: {  	s5 =	smul.u32 $0x3C00, s28;
	s6 =	sadd.s32 $0x1, s28;
	s28 =	sadd.s32 $0x5, s28  }
0x89: {  	s8 =	sadd.s32 $0x5, s25;
	p1 =	sgt.u32 s26, $0x7A;
	_ =	swait.ge [sflag:s6], $0xF00  }
0x8a: {  	s26 =	smul.u32 @!p1 $0x3C00, s25;
	s5 =	sshrl.u32 s5, $0x2;
	[sflag:s6] =	ssyncset.done $0x0  }
.Ltmp3:
0x8b: {  	s5 =	sadd.s32 $0x4E20, s5;
	[sflag:s6] =	ssyncadd.s32 $0xFFFFF100;
	(pc) =	sbr.rel @p2 .LBB2_4-.Ltmp3, $4  }
0x8c: {  	[spmem:s2] =	stream.indirect.scatter.add.f32 [tilespmem:s5], [sflag:s28], $0x30, s22, s19, $0xb8;
	[tilespmem:$0x1F220] =	vst v63  }
0x8d: {  	s25 =	sadd.s32 @!p1 $0x1, s25;
	s5 =	sshrl.u32 @!p1 s26, $0x2;
	_ =	swait.ge [sflag:s8], $0xF00  }
0x8e: {  	s22 =	sadd.s32 $0x50, s22;
	s26 =	sadd.s32 @!p1 $0x4E20, s5;
	[sflag:s8] =	ssyncset.done $0x0  }
0x8f: {  	s23 =	sadd.s32 $0x50, s23;
	s28 =	simm.s32 @!p1 $0x50;
	[sflag:s8] =	ssyncadd.s32 $0xFFFFF100  }
0x90: {  	[tilespmem:s26], [sflag:s25] =	stream.indirect.gather @!p1 [hbm4b:s4+s28], $0x30, s1, s28, $0xb8;
	[tilespmem:$0x1F220] =	vst v63  }
0x91: {  	_ =	swait.ge [sflag:s29], $0xF00  }
0x92: {  	[sflag:s29] =	ssyncset.done $0x0  }
0x93: {  	[sflag:s29] =	ssyncadd.s32 $0xFFFFF100  }
.Ltmp4:
0x94: {  	_ =	swait.ge [sflag:s30], $0xF00;
	(pc) =	sbr.rel @!p0 .LBB2_6-.Ltmp4, $4  }
0x95: {  	[sflag:s30] =	ssyncset.done $0x0  }
0x96: {  	[sflag:s30] =	ssyncadd.s32 $0xFFFFF100  }
0x97: {  	s28 =	stileid.u32;
	[bflag:$0x0] =	sbarrier.arrive $0xFFFF  }
0x98: {  	s0 =	simm.s32 $0x2D0;
	s1 =	sadd.s32 $0x1680, s7;
	s5 =	sshll.u32 s28, $0x6  }
0x99: {  	s23 =	sadd.s32 $0x0, s14;
	s22 =	sor.u32 $0x1C09, s5;
	s25 =	sshrl.u32 s7, $0x3  }
.LBB2_10:
0x9a: {  	[hbm:s23], [sflag:s22] =	dma.local [spmem:s25], $0x2D0  }
0x9b: {  	s5 =	smov.u32 s0;
	s6 =	smov.u32 s1;
	p1 =	sne.s32 s0, $0x2A30  }
.Ltmp5:
0x9c: {  	s0 =	sadd.s32 $0x2D0, s0;
	(pc) =	sbr.rel @p1 .LBB2_10-.Ltmp5, $3  }
0x9d: {  	_ =	sdelay $0x1  }
0x9e: {  	s1 =	sadd.s32 $0x1680, s1  }
0x9f: {  	s23 =	sadd.s32 s5, s14;
	s25 =	sshrl.u32 s6, $0x3  }
.Ltmp6:
0xa0: {  	(pc) =	sbr.rel .LBB2_12-.Ltmp6, $2  }
0xa1: {  	_ =	sdelay $0x2  }
0xa2: {  	[hbm:s23], [sflag:s22] =	dma.local [spmem:s25], $0x2D0  }
.LBB2_6:
0xa3: {  	s23 =	sadd.s32 $0x0, s13;
	s22 =	sor.u32 $0x1C09, s5;
	s25 =	sshrl.u32 s7, $0x3  }
.LBB2_7:
0xa4: {  	[hbm:s23], [sflag:s22] =	dma.local [spmem:s25], $0x2D0  }
0xa5: {  	s5 =	smov.u32 s0;
	s6 =	smov.u32 s1;
	p1 =	seq.s32 s0, $0x2A30  }
.Ltmp7:
0xa6: {  	s0 =	sadd.s32 $0x2D0, s0;
	(pc) =	sbr.rel @!p1 .LBB2_7-.Ltmp7, $3  }
0xa7: {  	_ =	sdelay $0x1  }
0xa8: {  	s1 =	sadd.s32 $0x1680, s1  }
0xa9: {  	s23 =	sadd.s32 s5, s13;
	s25 =	sshrl.u32 s6, $0x3  }
.Ltmp8:
0xaa: {  	_ = 	snop;
	(pc) =	sbr.rel .LBB2_8-.Ltmp8, $1  }
0xab: {  	_ =	sdelay $0x3  }
.LBB2_13:
0xac: {  	_ =	sfence.sel $0x180000  }
0xad: {  	[bflag:$0x0] =	sbarrier.arrive $0xFFFF  }
0xae: {  	_ =	strace $0x9000004A  }
0xaf: {  	s0 =	stileid.u32;
	[bflag:$0x2] =	sbarrier.arrive $0xFFFF  }
0xb0: {  	p0 =	sne.s32 s0, $0x0;
	s0 =	rddreg [dreg:$0x2]  }
0xb1: {  	s0 =	sadd.s32 @!p0 $0x100000, s0  }
0xb2: {  	[sflag:s0] =	ssyncadd.tile.s32 @!p0 $0x1;
	_ =	shalt  }
.Lfunc_end2:
_tile_overlayer_lowered:
.L_overlay_start_2:
0xb3: {  	(tag) =	ssettag $0x2  }
0xb4: {  	s0 =	rddreg [dreg:$0x0];
	s2 =	stileid.u32  }
0xb5: {  	s1 =	rddreg [dreg:$0x1];
	p0 =	sne.s32 s2, $0x0  }
0xb6: {  	s3 =	rddreg [dreg:$0x2];
	[bflag:$0x3] =	sbarrier.arrive $0xFFFF;
	s2 =	simm.s32 @!p0 $0x1C0A  }
0xb7: {  	[timem:s3], [sflag:s2] =	dma.local @!p0 [hbm:s0], s1  }
0xb8: {  	s0 =	simm.s32 @!p0 $0xA  }
0xb9: {  	_ =	swait.ge @!p0 [sflag:s0], s1  }
0xba: {  	s1 =	ssub.s32 @!p0 $0x0, s1;
	[sflag:s0] =	ssyncset.done @!p0 $0x0  }
0xbb: {  	[sflag:s0] =	ssyncadd.s32 @!p0 s1  }
0xbc: {  	[bflag:$0x3] =	sbarrier.arrive $0xFFFF  }
0xbd: {  	_ =	shalt  }

// kernel: kernel.8.cloned.1.call-start
scs
__scs_entry_jumppad:
0x0: {  	(pc) =	sbr.rel $0x88, $3  }
0x1: {  	(tag) =	ssettag $0x0;
	lr =	simm.s32 $0x1  }
0x2: {  	[smem:$0x3F98] =	sst lr;
	_ =	strace $0xD0000000  }
0x3: {  	_ = 	snop  }
0x4: {  	_ = 	snop  }
0x5: {  	_ = 	snop  }
0x6: {  	_ = 	snop  }
0x7: {  	_ = 	snop  }
__scs_overlays_trampoline_lowered:
0x8: {  	[smem:$0x3FA7] =	sst s0  }
0x9: {  	[smem:$0x3FA8] =	sst s1  }
0xa: {  	[smem:$0x3FA9] =	sst s2  }
0xb: {  	[smem:$0x3FAA] =	sst s3  }
0xc: {  	[smem:$0x3FAB] =	sst s4  }
0xd: {  	[smem:$0x3FAC] =	sst s5  }
0xe: {  	[smem:$0x3FAD] =	sst s6  }
0xf: {  	[smem:$0x3FAE] =	sst s7  }
0x10: {  	[smem:$0x3FAF] =	sst s8  }
0x11: {  	[smem:$0x3FB0] =	sst s9;
	s0 =	simm.s32 @!p0 $0x0  }
0x12: {  	s1 =	sld [smem:$0x3F96];
	s0 =	simm.s32 @p0 $0x1  }
0x13: {  	[smem:$0x3FB1] =	sst s0;
	s0 =	simm.s32 @!p1 $0x0  }
0x14: {  	s2 =	sld [smem:$0x3F95];
	s0 =	simm.s32 @p1 $0x1  }
0x15: {  	[smem:$0x3FB2] =	sst s0;
	s0 =	simm.s32 @!p2 $0x0  }
0x16: {  	s3 =	sld [smem:$0x3FDB];
	s0 =	simm.s32 @p2 $0x1  }
0x17: {  	s4 =	simm.s32 $0x1BF5;
	[smem:$0x3FB4] =	sst s0  }
0x18: {  	s0 =	sld [smem:$0x3F97];
	_ =	swait.ge [sflag:s4], $0x0  }
0x19: {  	s7 =	sld [smem:$0x3F98]  }
0x1a: {  	s8 =	sadd.s32 $0xFFFFE003, lr  }
0x1b: {  	s9 =	sadd.s32 $0xFFFFFEF7, lr;
	s5 =	simm.s32 $0xFFFFFFFF;
	p2 =	slt.u32 s8, $0xFFFFF086  }
0x1c: {  	p1 =	slt.u32 s9, $0xF7A;
	s5 =	simm.s32 @!p2 $0x0  }
0x1d: {  	s5 =	simm.s32 @p1 $0x1;
	p0 =	seq.s32 s7, s2  }
0x1e: {  	s7 =	smul.u32 @!p0 $0xF7A, s2;
	p2 =	seq.s32 @!p0 s5, $0x0  }
0x1f: {  	s9 =	smul.u32 $0xF7A, s1;
	s8 =	simm.s32 @!p0 $0x1BF5;
	p2 =	por !p2, p0  }
0x20: {  	[sflag:s8] =	ssyncset.s32 @!p0 $0xFFFFF086;
	s6 =	sadd.s32 @!p0 s3, s7;
	s7 =	simm.s32 @!p0 $0x108  }
0x21: {  	s3 =	sadd.s32 s3, s9;
	s6 =	sadd.s32 @!p0 $0x88, s6;
	s7 =	simm.s32 @p2 $0x1082  }
0x22: {  	[simem:s7], [sflag:s8] =	dma.local @!p0 [hbm:s6], $0xF7A  }
0x23: {  	s9 =	sor.u32 $0xD0000000, s2;
	s6 =	simm.s32 $0x108;
	_ =	swait.ge @!p0 [sflag:s8], $0x0  }
0x24: {  	s3 =	sadd.s32 $0x88, s3;
	s6 =	simm.s32 @!p1 $0x1082;
	[sflag:s4] =	ssyncset.s32 $0xFFFFF086  }
0x25: {  	[simem:s6], [sflag:s4] =	dma.local [hbm:s3], $0xF7A  }
0x26: {  	[smem:$0x3F98] =	sst s1;
	(tag) =	ssettag s2;
	_ =	strace s9  }
0x27: {  	s1 =	sld [smem:$0x3FA8]  }
0x28: {  	s2 =	sld [smem:$0x3FA9]  }
0x29: {  	s4 =	sld [smem:$0x3FAB]  }
0x2a: {  	p0 =	seq.s32 s5, $0x0;
	s5 =	sld [smem:$0x3FAC]  }
0x2b: {  	s6 =	sld [smem:$0x3FAD]  }
0x2c: {  	s7 =	sld [smem:$0x3FAE]  }
0x2d: {  	s3 =	simm.s32 $0x108;
	s8 =	sld [smem:$0x3FAF]  }
0x2e: {  	s3 =	simm.s32 @!p0 $0x1082;
	s9 =	sld [smem:$0x3FB0]  }
0x2f: {  	lr =	sadd.s32 s0, s3;
	s0 =	sld [smem:$0x3FA7]  }
0x30: {  	s3 =	sld [smem:$0x3FAA]  }
0x31: {  	[smem:$0x3FB3] =	sst s10  }
0x32: {  	s10 =	sld [smem:$0x3FB1];
	_ =	sdelay $0x3  }
0x33: {  	p0 =	seq.s32 s10, $0x1;
	s10 =	sld [smem:$0x3FB3];
	_ =	sdelay $0x3  }
0x34: {  	[smem:$0x3FB3] =	sst s10  }
0x35: {  	s10 =	sld [smem:$0x3FB2];
	_ =	sdelay $0x3  }
0x36: {  	p1 =	seq.s32 s10, $0x1;
	s10 =	sld [smem:$0x3FB3];
	_ =	sdelay $0x3  }
0x37: {  	[smem:$0x3FB3] =	sst s10  }
0x38: {  	s10 =	sld [smem:$0x3FB4]  }
0x39: {  	_ = 	snop;
	(pc) =	sbr.ind lr, $3  }
0x3a: {  	_ = 	snop  }
0x3b: {  	_ = 	snop  }
0x3c: {  	p2 =	seq.s32 s10, $0x1;
	s10 =	sld [smem:$0x3FB3]  }
0x3d: {  	_ =	shalt  }
0x3e: {  	_ =	shalt  }
0x3f: {  	_ =	shalt  }
0x40: {  	_ =	shalt  }
0x41: {  	_ =	shalt  }
0x42: {  	_ =	shalt  }
0x43: {  	_ =	shalt  }
0x44: {  	_ =	shalt  }
0x45: {  	_ =	shalt  }
0x46: {  	_ =	shalt  }
0x47: {  	_ =	shalt  }
0x48: {  	_ =	shalt  }
0x49: {  	_ =	shalt  }
0x4a: {  	_ =	shalt  }
0x4b: {  	_ =	shalt  }
0x4c: {  	_ =	shalt  }
0x4d: {  	_ =	shalt  }
0x4e: {  	_ =	shalt  }
0x4f: {  	_ =	shalt  }
0x50: {  	_ =	shalt  }
0x51: {  	_ =	shalt  }
0x52: {  	_ =	shalt  }
0x53: {  	_ =	shalt  }
0x54: {  	_ =	shalt  }
0x55: {  	_ =	shalt  }
0x56: {  	_ =	shalt  }
0x57: {  	_ =	shalt  }
0x58: {  	_ =	shalt  }
0x59: {  	_ =	shalt  }
0x5a: {  	_ =	shalt  }
0x5b: {  	_ =	shalt  }
0x5c: {  	_ =	shalt  }
0x5d: {  	_ =	shalt  }
0x5e: {  	_ =	shalt  }
0x5f: {  	_ =	shalt  }
0x60: {  	_ =	shalt  }
0x61: {  	_ =	shalt  }
0x62: {  	_ =	shalt  }
0x63: {  	_ =	shalt  }
0x64: {  	_ =	shalt  }
0x65: {  	_ =	shalt  }
0x66: {  	_ =	shalt  }
0x67: {  	_ =	shalt  }
0x68: {  	_ =	shalt  }
0x69: {  	_ =	shalt  }
0x6a: {  	_ =	shalt  }
0x6b: {  	_ =	shalt  }
0x6c: {  	_ =	shalt  }
0x6d: {  	_ =	shalt  }
0x6e: {  	_ =	shalt  }
0x6f: {  	_ =	shalt  }
0x70: {  	_ =	shalt  }
0x71: {  	_ =	shalt  }
0x72: {  	_ =	shalt  }
0x73: {  	_ =	shalt  }
0x74: {  	_ =	shalt  }
0x75: {  	_ =	shalt  }
0x76: {  	_ =	shalt  }
0x77: {  	_ =	shalt  }
0x78: {  	_ =	shalt  }
0x79: {  	_ =	shalt  }
0x7a: {  	_ =	shalt  }
0x7b: {  	_ =	shalt  }
0x7c: {  	_ =	shalt  }
0x7d: {  	_ =	shalt  }
0x7e: {  	_ =	shalt  }
0x7f: {  	_ =	shalt  }
0x80: {  	_ =	shalt  }
0x81: {  	_ =	shalt  }
0x82: {  	_ =	shalt  }
0x83: {  	_ =	shalt  }
0x84: {  	_ =	shalt  }
0x85: {  	_ =	shalt  }
0x86: {  	_ =	shalt  }
0x87: {  	_ =	shalt  }
.Lfunc_end0:
.L_simem_size_0:
called_computation_lowered:
.L_overlay_start_0:
0x88: {  	s2 =	sld [smem:$0x3FD9]  }
0x89: {  	s3 =	sld [smem:$0x3FFE];
	_ =	sdelay $0x1  }
0x8a: {  	s1 =	srdreg.scid  }
0x8b: {  	s0 =	sand.u32 $0x1, s1  }
0x8c: {  	s16 =	sshll.u32 s0, $0xA;
	s2 =	sadd.s32 s3, s2  }
0x8d: {  	s2 =	sadd.s32 s2, s16  }
0x8e: {  	[smem:$0x3FBF] =	sst s2  }
0x8f: {  	_ = 	snop  }
0x90: {  	(tm) =	ssettm $0x1  }
0x91: {  	s17 =	sld [smem:$0x3FFB];
	_ =	sdelay $0x3  }
0x92: {  	_ =	strace s17  }
0x93: {  	s2 =	sld [smem:$0x3FFC];
	_ =	sdelay $0x3  }
0x94: {  	_ =	strace s2  }
0x95: {  	s2 =	sld [smem:$0x3FFD];
	_ =	sdelay $0x3  }
0x96: {  	_ =	strace s2  }
0x97: {  	_ =	strace $0x8FFFFFFF  }
0x98: {  	s18 =	sld [smem:$0x3FDB];
	_ =	sdelay $0x1  }
0x99: {  	s19 =	simm.s32 $_scs_section_size  }
0x9a: {  	s4 =	simm.s32 $_size__tile_overlayer_lowered;
	s5 =	simm.s32 $_tile_overlayer_lowered  }
0x9b: {  	s22 =	simm.s32 $0x1BFF;
	s21 =	sshll.u32 s5, $0x1;
	s2 =	sadd.s32 s19, s18  }
0x9c: {  	s6 =	simm.s32 $0x0;
	s20 =	sshll.u32 s4, $0x1;
	s4 =	sadd.s32 s21, s2  }
0x9d: {  	[timem:s6], [sflag:s22] =	dma.local [hbm:s4], s20  }
0x9e: {  	_ =	swait.ge [sflag:s22], s20  }
0x9f: {  	s3 =	ssub.s32 $0x0, s20;
	[sflag:s22] =	ssyncset.done $0x0  }
0xa0: {  	[sflag:s22] =	ssyncadd.s32 s3;
	_ =	sdelay $0x1  }
0xa1: {  	s23 =	simm.s32 $0x1B8B  }
0xa2: {  	_ =	swait.ge [sflag:s23], $0x1  }
0xa3: {  	[sflag:s23] =	ssyncset.done $0x0  }
0xa4: {  	s25 =	simm.s32 $0x1B8E;
	s24 =	sld [smem:$0x3FFE];
	[sflag:s23] =	ssyncadd.s32 $0xFFFFFFFF  }
0xa5: {  	s26 =	simm.s32 $execute0_lowered;
	[smem:$0x3FD2] =	sst s25  }
0xa6: {  	s4 =	sshll.u32 s26, $0x1;
	_ =	strace $0x80000046;
	[dreg:$0x1] =	wrdreg $0xFFFFFFFF  }
0xa7: {  	s28 =	simm.s32 $_size_execute0_lowered;
	s2 =	sadd.s32 s2, s4;
	[dreg:$0x0] =	wrdreg $0x0  }
0xa8: {  	s4 =	sshll.u32 s28, $0x1;
	[dreg:$0x2] =	wrdreg s2  }
0xa9: {  	[dreg:$0x3] =	wrdreg s4  }
0xaa: {  	[dreg:$0x4] =	wrdreg $0xC0  }
0xab: {  	_ =	task [dreg:s6], $0x5FFFF  }
0xac: {  	[dreg:$0x1] =	wrdreg $0xFFFFFFFF  }
0xad: {  	[dreg:$0x0] =	wrdreg $0x60  }
0xae: {  	[dreg:$0x2] =	wrdreg s24  }
0xaf: {  	[dreg:$0x3] =	wrdreg $0x8A200  }
0xb0: {  	[dreg:$0x4] =	wrdreg $0x9  }
0xb1: {  	_ =	task.clear_ibuf [dreg:s6], $0x5FFFF;
	_ =	strace $0x90000046  }
0xb2: {  	s29 =	simm.s32 $0x9;
	_ =	strace $0x80000048  }
0xb3: {  	_ =	swait.ge [sflag:s29], $0x1  }
0xb4: {  	[sflag:s29] =	ssyncadd.s32 $0xFFFFFFFF  }
0xb5: {  	_ =	strace $0x90000048  }
0xb6: {  	_ =	sfence  }
0xb7: {  	s30 =	sld [smem:$0x0];
	_ =	sdelay $0x2  }
0xb8: {  	s31 =	sshll.u32 s1, $0xD;
	s1 =	sshrl.u32 s1, $0x2  }
0xb9: {  	s3 =	sand.u32 $0x4000, s31;
	s1 =	sadd.s32 s1, s30  }
0xba: {  	s0 =	sor.u32 s3, s0;
	s1 =	sshll.u32 s1, $0x11  }
0xbb: {  	s0 =	sor.u32 s1, s0  }
0xbc: {  	s0 =	sadd.s32 $0x8F2B, s0  }
0xbd: {  	[sflag:s0] =	ssyncadd.remote.s32 $0x1  }
0xbe: {  	_ =	sfence.sel $0xFFFF  }
0xbf: {  	[dreg:$0x0] =	wrdreg $0xFFFFFFFF;
	(pc) =	sbr.abs _section_cstart, $3  }
0xc0: {  	[dreg:$0x1] =	wrdreg $0xFFFFFFFF  }
0xc1: {  	_ =	task.clear_ibuf [dreg:s6], $0x2FFFF;
	_ =	strace $0x9FFFFFFF  }
0xc2: {  	(tm) =	ssettm $0x7FFFFFFF  }
0xc3: {  	_ =	shalt  }
tec
execute0_lowered:
.L_overlay_start_1:
0x0: {  	(tag) =	ssettag $0x1  }
0x1: {  	s0 =	srdreg.scid;
	s1 =	rddreg [dreg:$0x0]  }
0x2: {  	s8 =	stileid.u32;
	s2 =	rddreg [dreg:$0x1]  }
0x3: {  	s15 =	simm.s32 $0x2710;
	s16 =	simm.s32 $0x4E20;
	s17 =	simm.s32 $0xA  }
0x4: {  	s18 =	simm.s32 $0x9;
	s19 =	simm.s32 $0x50;
	s20 =	simm.s32 $0x5D20  }
0x5: {  	s21 =	simm.s32 $0x1;
	s29 =	simm.s32 $0x8;
	s30 =	simm.s32 $0x5  }
0x6: {  	s31 =	simm.s32 $0x0;
	s0 =	sand.u32 $0x1, s0;
	s6 =	smul.u32 $0x2D00, s8  }
0x7: {  	s3 =	sshll.u32 s0, $0x4;
	s7 =	ssub.s32 $0x2, s0;
	p0 =	seq.s32 s0, $0x1  }
0x8: {  	s4 =	sor.u32 s8, s3;
	s3 =	simm.s32 $0x0;
	s8 =	smul.u32 $0x5A000, s8  }
0x9: {  	s23 =	sshrl.u32 s7, $0x1;
	s5 =	smul.u32 $0x4E2, s4;
	[smem:$0x7FF] =	sst s3  }
0xa: {  	s4 =	sadd.s32 $0x3400, s1;
	s10 =	ssub.s32 s7, s23;
	_ =	strace $0x80000047  }
0xb: {  	s24 =	sshrl.u32 s8, $0x2;
	s28 =	smax.u32 s10, $0x1;
	s9 =	sadd.s32 s5, s1  }
.Ltmp0:
0xc: {  	s1 =	sadd.s32 s6, s1;
	s7 =	sadd.s32 s24, s2;
	(pc) =	sbr.rel .LBB2_1-.Ltmp0, $4  }
0xd: {  	[dreg:$0x5] =	wrdreg s28;
	s24 =	simm.s32 $0x2;
	s25 =	sadd.s32 $0x30400, s9  }
0xe: {  	s26 =	sadd.s32 $0x3A200, s9;
	s9 =	sadd.s32 $0x4800, s7;
	s10 =	sadd.s32 $0x9000, s7  }
0xf: {  	s11 =	sadd.s32 $0xD800, s7;
	s12 =	sadd.s32 $0x12000, s7;
	[dreg:$0x3] =	wrdreg s25  }
0x10: {  	v0 =	vimm.f32 $0.0e+00;
	s13 =	sadd.s32 $0x44000, s1;
	s14 =	sadd.s32 $0x71000, s1;
	[dreg:$0x4] =	wrdreg s26  }
.LBB2_8:
0x11: {  	[hbm:s23], [sflag:s22] =	dma.local [spmem:s25], $0x2D0  }
.LBB2_12:
0x12: {  	_ =	swait.ge [sflag:s18], $0x2D0  }
0x13: {  	[sflag:s18] =	ssyncset.done $0x0  }
0x14: {  	[sflag:s18] =	ssyncadd.s32 $0xFFFFFD30  }
0x15: {  	_ =	swait.ge [sflag:s18], $0x2D0  }
0x16: {  	[sflag:s18] =	ssyncset.done $0x0  }
0x17: {  	[sflag:s18] =	ssyncadd.s32 $0xFFFFFD30  }
0x18: {  	_ =	swait.ge [sflag:s18], $0x2D0  }
0x19: {  	[sflag:s18] =	ssyncset.done $0x0  }
0x1a: {  	[sflag:s18] =	ssyncadd.s32 $0xFFFFFD30  }
0x1b: {  	_ =	swait.ge [sflag:s18], $0x2D0  }
0x1c: {  	[sflag:s18] =	ssyncset.done $0x0  }
0x1d: {  	[sflag:s18] =	ssyncadd.s32 $0xFFFFFD30  }
0x1e: {  	_ =	swait.ge [sflag:s18], $0x2D0  }
0x1f: {  	[sflag:s18] =	ssyncset.done $0x0  }
0x20: {  	[sflag:s18] =	ssyncadd.s32 $0xFFFFFD30  }
0x21: {  	_ =	swait.ge [sflag:s18], $0x2D0  }
0x22: {  	[sflag:s18] =	ssyncset.done $0x0  }
0x23: {  	[sflag:s18] =	ssyncadd.s32 $0xFFFFFD30  }
0x24: {  	_ =	swait.ge [sflag:s18], $0x2D0  }
0x25: {  	[sflag:s18] =	ssyncset.done $0x0  }
0x26: {  	[sflag:s18] =	ssyncadd.s32 $0xFFFFFD30  }
0x27: {  	_ =	swait.ge [sflag:s18], $0x2D0  }
0x28: {  	[sflag:s18] =	ssyncset.done $0x0  }
0x29: {  	[sflag:s18] =	ssyncadd.s32 $0xFFFFFD30  }
0x2a: {  	_ =	swait.ge [sflag:s18], $0x2D0  }
0x2b: {  	[sflag:s18] =	ssyncset.done $0x0  }
0x2c: {  	[sflag:s18] =	ssyncadd.s32 $0xFFFFFD30  }
0x2d: {  	_ =	swait.ge [sflag:s18], $0x2D0  }
0x2e: {  	[sflag:s18] =	ssyncset.done $0x0  }
0x2f: {  	[sflag:s18] =	ssyncadd.s32 $0xFFFFFD30  }
0x30: {  	_ =	swait.ge [sflag:s18], $0x2D0  }
0x31: {  	[sflag:s18] =	ssyncset.done $0x0  }
0x32: {  	[sflag:s18] =	ssyncadd.s32 $0xFFFFFD30  }
0x33: {  	_ =	swait.ge [sflag:s18], $0x2D0  }
0x34: {  	[sflag:s18] =	ssyncset.done $0x0  }
0x35: {  	[sflag:s18] =	ssyncadd.s32 $0xFFFFFD30  }
0x36: {  	_ =	swait.ge [sflag:s18], $0x2D0  }
0x37: {  	[sflag:s18] =	ssyncset.done $0x0  }
0x38: {  	[sflag:s18] =	ssyncadd.s32 $0xFFFFFD30  }
0x39: {  	_ =	swait.ge [sflag:s18], $0x2D0  }
0x3a: {  	[sflag:s18] =	ssyncset.done $0x0  }
0x3b: {  	[sflag:s18] =	ssyncadd.s32 $0xFFFFFD30  }
0x3c: {  	_ =	swait.ge [sflag:s18], $0x2D0  }
0x3d: {  	[sflag:s18] =	ssyncset.done $0x0  }
0x3e: {  	[sflag:s18] =	ssyncadd.s32 $0xFFFFFD30  }
0x3f: {  	_ =	swait.ge [sflag:s18], $0x2D0  }
0x40: {  	s31 =	sadd.s32 $0x1, s31;
	s0 =	rddreg [dreg:$0x5]  }
0x41: {  	p1 =	sne.s32 s31, s0  }
.Ltmp1:
0x42: {  	_ = 	snop;
	(pc) =	sbr.rel @!p1 .LBB2_13-.Ltmp1, $3  }
0x43: {  	_ =	sdelay $0x1  }
0x44: {  	[sflag:s18] =	ssyncset.done $0x0  }
0x45: {  	[sflag:s18] =	ssyncadd.s32 $0xFFFFFD30  }
.LBB2_1:
0x46: {  	s0 =	rddreg [dreg:$0x3]  }
0x47: {  	[tilespmem:s3], [sflag:$0x9] =	stream.linear.gather [hbm4b:s0+s3], $0x2710, $0x38;
	[tilespmem:$0x1F220] =	vst v63  }
0x48: {  	s28 =	rddreg [dreg:$0x4];
	s1 =	simm.s32 $0x0;
	s0 =	simm.s32 $0xC0  }
0x49: {  	[tilespmem:s15], [sflag:$0x9] =	stream.linear.gather [hbm4b:s28+s3], $0x2710, $0x38;
	[tilespmem:$0x1F220] =	vst v63  }
.LBB2_2:
0x4a: {  	p1 =	sne.s32 s0, $0x11F40;
	[tilespmem:s1+$0x4E40] =	vst v0;
	s22 =	smov.u32 s0;
	s0 =	sadd.s32 $0xC0, s0  }
.Ltmp2:
0x4b: {  	[tilespmem:s1+$0x4E20] =	vst v0;
	(pc) =	sbr.rel @p1 .LBB2_2-.Ltmp2, $2  }
0x4c: {  	[tilespmem:s1+$0x4E30] =	vst v0;
	_ =	sdelay $0x2  }
0x4d: {  	s1 =	sshra.s32 s22, $0x2  }
0x4e: {  	[tilespmem:s1+$0x4E40] =	vst v0  }
0x4f: {  	[tilespmem:s1+$0x4E20] =	vst v0  }
0x50: {  	[tilespmem:s1+$0x4E30] =	vst v0  }
0x51: {  	[spmem:s7] =	stream.linear.scatter [tilespmem:s16], [sflag:$0xA], $0x4800, $0x38;
	[tilespmem:$0x1F220] =	vst v63  }
0x52: {  	_ =	swait.ge [sflag:s17], $0x4800  }
0x53: {  	[sflag:s17] =	ssyncset.done $0x0  }
0x54: {  	[sflag:s17] =	ssyncadd.s32 $0xFFFFB800  }
0x55: {  	[spmem:s9] =	stream.linear.scatter [tilespmem:s16], [sflag:$0xA], $0x4800, $0x38;
	[tilespmem:$0x1F220] =	vst v63  }
0x56: {  	_ =	swait.ge [sflag:s17], $0x4800  }
0x57: {  	[sflag:s17] =	ssyncset.done $0x0  }
0x58: {  	[sflag:s17] =	ssyncadd.s32 $0xFFFFB800  }
0x59: {  	[spmem:s10] =	stream.linear.scatter [tilespmem:s16], [sflag:$0xA], $0x4800, $0x38;
	[tilespmem:$0x1F220] =	vst v63  }
0x5a: {  	_ =	swait.ge [sflag:s17], $0x4800  }
0x5b: {  	[sflag:s17] =	ssyncset.done $0x0  }
0x5c: {  	[sflag:s17] =	ssyncadd.s32 $0xFFFFB800  }
0x5d: {  	[spmem:s11] =	stream.linear.scatter [tilespmem:s16], [sflag:$0xA], $0x4800, $0x38;
	[tilespmem:$0x1F220] =	vst v63  }
0x5e: {  	_ =	swait.ge [sflag:s17], $0x4800  }
0x5f: {  	[sflag:s17] =	ssyncset.done $0x0  }
0x60: {  	[sflag:s17] =	ssyncadd.s32 $0xFFFFB800  }
0x61: {  	[spmem:s12] =	stream.linear.scatter [tilespmem:s16], [sflag:$0xA], $0x4800, $0x38;
	[tilespmem:$0x1F220] =	vst v63  }
0x62: {  	_ =	swait.ge [sflag:s17], $0x4800  }
0x63: {  	[sflag:s17] =	ssyncset.done $0x0  }
0x64: {  	[sflag:s17] =	ssyncadd.s32 $0xFFFFB800  }
0x65: {  	_ =	swait.ge [sflag:s18], $0x2710  }
0x66: {  	[sflag:s18] =	ssyncset.done $0x0  }
0x67: {  	[sflag:s18] =	ssyncadd.s32 $0xFFFFD8F0  }
0x68: {  	_ =	swait.ge [sflag:s18], $0x2710  }
0x69: {  	[sflag:s18] =	ssyncset.done $0x0  }
0x6a: {  	[sflag:s18] =	ssyncadd.s32 $0xFFFFD8F0  }
0x6b: {  	[tilespmem:s16], [sflag:$0x1] =	stream.indirect.gather [hbm4b:s4+s19], $0x30, s3, s19, $0xb8;
	[tilespmem:$0x1F220] =	vst v63  }
0x6c: {  	_ = 	snop  }
0x6d: {  	[tilespmem:s20], [sflag:$0x2] =	stream.indirect.gather [hbm4b:s4+s19], $0x30, s19, s19, $0xb8;
	[tilespmem:$0x1F220] =	vst v63  }
0x6e: {  	[bflag:$0x0] =	sbarrier.arrive $0xFFFF  }
0x6f: {  	_ =	swait.ge [sflag:s21], $0xF00  }
0x70: {  	[sflag:s21] =	ssyncset.done $0x0  }
0x71: {  	[sflag:s21] =	ssyncadd.s32 $0xFFFFF100  }
0x72: {  	[spmem:s2] =	stream.indirect.scatter.add.f32 [tilespmem:s16], [sflag:$0x5], $0x30, s15, s19, $0xb8;
	[tilespmem:$0x1F220] =	vst v63  }
0x73: {  	s0 =	simm.s32 $0xA0;
	s22 =	simm.s32 $0x6C20  }
0x74: {  	[tilespmem:s22], [sflag:$0x3] =	stream.indirect.gather [hbm4b:s4+s19], $0x30, s0, s19, $0xb8;
	[tilespmem:$0x1F220] =	vst v63  }
0x75: {  	_ =	swait.ge [sflag:s24], $0xF00  }
0x76: {  	s23 =	simm.s32 $0x2760;
	[sflag:s24] =	ssyncset.done $0x0  }
0x77: {  	s25 =	simm.s32 $0xF0;
	s5 =	simm.s32 $0x2;
	[sflag:s24] =	ssyncadd.s32 $0xFFFFF100  }
0x78: {  	[spmem:s2] =	stream.indirect.scatter.add.f32 [tilespmem:s20], [sflag:$0x6], $0x30, s23, s19, $0xb8;
	[tilespmem:$0x1F220] =	vst v63  }
0x79: {  	s26 =	simm.s32 $0x7B20;
	s6 =	simm.s32 $0x4;
	s0 =	sand.u32 $0x3, s5  }
0x7a: {  	[tilespmem:s26], [sflag:$0x4] =	stream.indirect.gather [hbm4b:s4+s19], $0x30, s25, s19, $0xb8;
	[tilespmem:$0x1F220] =	vst v63  }
0x7b: {  	p1 =	por $0x0, $0x0;
	s23 =	smul.u32 $0x3C00, s0;
	s25 =	sadd.s32 $0x1, s0  }
0x7c: {  	s22 =	simm.s32 $0x27B0;
	s26 =	sand.u32 $0x3, s6;
	_ =	swait.ge [sflag:s25], $0xF00  }
0x7d: {  	s0 =	sadd.s32 $0x5, s0;
	s8 =	sshrl.u32 s23, $0x2;
	[sflag:s25] =	ssyncset.done $0x0  }
0x7e: {  	s23 =	smul.u32 @!p1 $0x3C00, s26;
	s1 =	sadd.s32 $0x4E20, s8;
	[sflag:s25] =	ssyncadd.s32 $0xFFFFF100  }
0x7f: {  	[spmem:s2] =	stream.indirect.scatter.add.f32 [tilespmem:s1], [sflag:s0], $0x30, s22, s19, $0xb8;
	[tilespmem:$0x1F220] =	vst v63  }
0x80: {  	s28 =	sadd.s32 $0x5, s26;
	s25 =	sadd.s32 @!p1 $0x1, s26;
	s1 =	simm.s32 $0x140  }
0x81: {  	s0 =	simm.s32 $0x5;
	s22 =	sshrl.u32 @!p1 s23, $0x2;
	_ =	swait.ge [sflag:s28], $0xF00  }
0x82: {  	s23 =	simm.s32 $0x190;
	s26 =	sadd.s32 @!p1 $0x4E20, s22;
	[sflag:s28] =	ssyncset.done $0x0  }
0x83: {  	s22 =	simm.s32 $0x2800;
	[sflag:s28] =	ssyncadd.s32 $0xFFFFF100;
	s28 =	simm.s32 @!p1 $0x50  }
.LBB2_4:
0x84: {  	[tilespmem:s26], [sflag:s25] =	stream.indirect.gather @!p1 [hbm4b:s4+s28], $0x30, s1, s28, $0xb8;
	[tilespmem:$0x1F220] =	vst v63  }
0x85: {  	s25 =	smov.u32 s0;
	s1 =	smov.u32 s23  }
0x86: {  	s0 =	sadd.s32 $0x1, s0;
	s26 =	sadd.s32 $0xFFFFFFFE, s25  }
0x87: {  	s25 =	sand.u32 $0x3, s25;
	p2 =	sne.s32 s0, $0x7F;
	s28 =	sand.u32 $0x3, s26  }
0x88: {  	s5 =	smul.u32 $0x3C00, s28;
	s6 =	sadd.s32 $0x1, s28;
	s28 =	sadd.s32 $0x5, s28  }
0x89: {  	s8 =	sadd.s32 $0x5, s25;
	p1 =	sgt.u32 s26, $0x7A;
	_ =	swait.ge [sflag:s6], $0xF00  }
0x8a: {  	s26 =	smul.u32 @!p1 $0x3C00, s25;
	s5 =	sshrl.u32 s5, $0x2;
	[sflag:s6] =	ssyncset.done $0x0  }
.Ltmp3:
0x8b: {  	s5 =	sadd.s32 $0x4E20, s5;
	[sflag:s6] =	ssyncadd.s32 $0xFFFFF100;
	(pc) =	sbr.rel @p2 .LBB2_4-.Ltmp3, $4  }
0x8c: {  	[spmem:s2] =	stream.indirect.scatter.add.f32 [tilespmem:s5], [sflag:s28], $0x30, s22, s19, $0xb8;
	[tilespmem:$0x1F220] =	vst v63  }
0x8d: {  	s25 =	sadd.s32 @!p1 $0x1, s25;
	s5 =	sshrl.u32 @!p1 s26, $0x2;
	_ =	swait.ge [sflag:s8], $0xF00  }
0x8e: {  	s22 =	sadd.s32 $0x50, s22;
	s26 =	sadd.s32 @!p1 $0x4E20, s5;
	[sflag:s8] =	ssyncset.done $0x0  }
0x8f: {  	s23 =	sadd.s32 $0x50, s23;
	s28 =	simm.s32 @!p1 $0x50;
	[sflag:s8] =	ssyncadd.s32 $0xFFFFF100  }
0x90: {  	[tilespmem:s26], [sflag:s25] =	stream.indirect.gather @!p1 [hbm4b:s4+s28], $0x30, s1, s28, $0xb8;
	[tilespmem:$0x1F220] =	vst v63  }
0x91: {  	_ =	swait.ge [sflag:s29], $0xF00  }
0x92: {  	[sflag:s29] =	ssyncset.done $0x0  }
0x93: {  	[sflag:s29] =	ssyncadd.s32 $0xFFFFF100  }
.Ltmp4:
0x94: {  	_ =	swait.ge [sflag:s30], $0xF00;
	(pc) =	sbr.rel @!p0 .LBB2_6-.Ltmp4, $4  }
0x95: {  	[sflag:s30] =	ssyncset.done $0x0  }
0x96: {  	[sflag:s30] =	ssyncadd.s32 $0xFFFFF100  }
0x97: {  	s28 =	stileid.u32;
	[bflag:$0x0] =	sbarrier.arrive $0xFFFF  }
0x98: {  	s0 =	simm.s32 $0x2D0;
	s1 =	sadd.s32 $0x1680, s7;
	s5 =	sshll.u32 s28, $0x6  }
0x99: {  	s23 =	sadd.s32 $0x0, s14;
	s22 =	sor.u32 $0x1C09, s5;
	s25 =	sshrl.u32 s7, $0x3  }
.LBB2_10:
0x9a: {  	[hbm:s23], [sflag:s22] =	dma.local [spmem:s25], $0x2D0  }
0x9b: {  	s5 =	smov.u32 s0;
	s6 =	smov.u32 s1;
	p1 =	sne.s32 s0, $0x2A30  }
.Ltmp5:
0x9c: {  	s0 =	sadd.s32 $0x2D0, s0;
	(pc) =	sbr.rel @p1 .LBB2_10-.Ltmp5, $3  }
0x9d: {  	_ =	sdelay $0x1  }
0x9e: {  	s1 =	sadd.s32 $0x1680, s1  }
0x9f: {  	s23 =	sadd.s32 s5, s14;
	s25 =	sshrl.u32 s6, $0x3  }
.Ltmp6:
0xa0: {  	(pc) =	sbr.rel .LBB2_12-.Ltmp6, $2  }
0xa1: {  	_ =	sdelay $0x2  }
0xa2: {  	[hbm:s23], [sflag:s22] =	dma.local [spmem:s25], $0x2D0  }
.LBB2_6:
0xa3: {  	s23 =	sadd.s32 $0x0, s13;
	s22 =	sor.u32 $0x1C09, s5;
	s25 =	sshrl.u32 s7, $0x3  }
.LBB2_7:
0xa4: {  	[hbm:s23], [sflag:s22] =	dma.local [spmem:s25], $0x2D0  }
0xa5: {  	s5 =	smov.u32 s0;
	s6 =	smov.u32 s1;
	p1 =	seq.s32 s0, $0x2A30  }
.Ltmp7:
0xa6: {  	s0 =	sadd.s32 $0x2D0, s0;
	(pc) =	sbr.rel @!p1 .LBB2_7-.Ltmp7, $3  }
0xa7: {  	_ =	sdelay $0x1  }
0xa8: {  	s1 =	sadd.s32 $0x1680, s1  }
0xa9: {  	s23 =	sadd.s32 s5, s13;
	s25 =	sshrl.u32 s6, $0x3  }
.Ltmp8:
0xaa: {  	_ = 	snop;
	(pc) =	sbr.rel .LBB2_8-.Ltmp8, $1  }
0xab: {  	_ =	sdelay $0x3  }
.LBB2_13:
0xac: {  	_ =	sfence.sel $0x180000  }
0xad: {  	[bflag:$0x0] =	sbarrier.arrive $0xFFFF  }
0xae: {  	_ =	strace $0x90000047  }
0xaf: {  	s0 =	stileid.u32;
	[bflag:$0x2] =	sbarrier.arrive $0xFFFF  }
0xb0: {  	p0 =	sne.s32 s0, $0x0;
	s0 =	rddreg [dreg:$0x2]  }
0xb1: {  	s0 =	sadd.s32 @!p0 $0x100000, s0  }
0xb2: {  	[sflag:s0] =	ssyncadd.tile.s32 @!p0 $0x1;
	_ =	shalt  }
.Lfunc_end2:
_tile_overlayer_lowered:
.L_overlay_start_2:
0xb3: {  	(tag) =	ssettag $0x2  }
0xb4: {  	s0 =	rddreg [dreg:$0x0];
	s2 =	stileid.u32  }
0xb5: {  	s1 =	rddreg [dreg:$0x1];
	p0 =	sne.s32 s2, $0x0  }
0xb6: {  	s3 =	rddreg [dreg:$0x2];
	[bflag:$0x3] =	sbarrier.arrive $0xFFFF;
	s2 =	simm.s32 @!p0 $0x1C0A  }
0xb7: {  	[timem:s3], [sflag:s2] =	dma.local @!p0 [hbm:s0], s1  }
0xb8: {  	s0 =	simm.s32 @!p0 $0xA  }
0xb9: {  	_ =	swait.ge @!p0 [sflag:s0], s1  }
0xba: {  	s1 =	ssub.s32 @!p0 $0x0, s1;
	[sflag:s0] =	ssyncset.done @!p0 $0x0  }
0xbb: {  	[sflag:s0] =	ssyncadd.s32 @!p0 s1  }
0xbc: {  	[bflag:$0x3] =	sbarrier.arrive $0xFFFF  }
0xbd: {  	_ =	shalt  }

</sc_bundles>
